<compile_context>
chip_gen: v7x
topology: tpu7x:2x2x1
jax: 0.10.2.dev20260603
libtpu: 0.0.44.dev20260713+nightly
codegen_flags: <defaults>
</compile_context>

<pallas_src>
import functools

import jax
import jax.numpy as jnp
from jax import lax
from jax.experimental import pallas as pl
from jax.experimental.pallas import tpu as pltpu
from jax.experimental.pallas import tpu_sc as plsc

B = 4096
L = 50
HID = 128
NW = 32
ROWS_W = B // NW
NBUF = 5
AHEAD = 3
HALF = ROWS_W // 2
NC = 2 * L


def _body(eeg_tab, ecg_tab, eeg_idx, ecg_idx, eeg_out, ecg_out,
          idx_v, *ring):
    bufs = ring[:NBUF]
    gsem = ring[NBUF:2 * NBUF]
    ssem = ring[2 * NBUF:]
    wid = lax.axis_index("c") * 16 + lax.axis_index("s")
    row_base = wid * ROWS_W

    for (tab, idx_hbm, out_hbm) in (
        (eeg_tab, eeg_idx, eeg_out),
        (ecg_tab, ecg_idx, ecg_out),
    ):
        pltpu.sync_copy(idx_hbm.at[:, pl.ds(row_base, ROWS_W)], idx_v)

        def gather(c, b):
            return pltpu.make_async_copy(
                tab.at[idx_v.at[c // 2, pl.ds((c % 2) * HALF, HALF)]],
                bufs[b], gsem[b])

        def store(c, b):
            return pltpu.make_async_copy(
                bufs[b],
                out_hbm.at[c // 2, pl.ds(row_base + (c % 2) * HALF, HALF)],
                ssem[b])

        for c in range(AHEAD):
            gather(c, c).start()

        def turn(jj, _):
            for b in range(NBUF):
                cj = jj * NBUF + b
                @pl.when(cj >= NBUF - AHEAD)
                def _drain():
                    store(cj - (NBUF - AHEAD), (b + AHEAD) % NBUF).wait()

                @pl.when(cj + AHEAD < NC)
                def _fire():
                    gather(cj + AHEAD, (b + AHEAD) % NBUF).start()

                gather(cj, b).wait()
                store(cj, b).start()
            return _

        lax.fori_loop(0, NC // NBUF, turn, None)

        for c in range(NC - (NBUF - AHEAD), NC):
            store(c, c % NBUF).wait()


@functools.partial(jax.jit, static_argnums=())
def kernel(eeg_input_ids, ecg_input_ids, eeg_table, ecg_table):
    eeg_idx = eeg_input_ids.astype(jnp.int32).T
    ecg_idx = ecg_input_ids.astype(jnp.int32).T

    mesh = plsc.VectorSubcoreMesh(core_axis_name="c", subcore_axis_name="s")
    run = pl.kernel(
        _body,
        mesh=mesh,
        out_type=[
            jax.ShapeDtypeStruct((L, B, HID), jnp.float32),
            jax.ShapeDtypeStruct((L, B, HID), jnp.float32),
        ],
        scratch_types=(
            [pltpu.VMEM((L, ROWS_W), jnp.int32)]
            + [pltpu.VMEM((HALF, HID), jnp.float32)] * NBUF
            + [pltpu.SemaphoreType.DMA] * (2 * NBUF)
        ),
    )
    eeg_t, ecg_t = run(eeg_table, ecg_table, eeg_idx, ecg_idx)
    return (eeg_t.transpose(1, 0, 2), ecg_t.transpose(1, 0, 2))

# --- scband reference (transcript-rebuilt; emitter-appended) ---
"""Pipeline reference for scband-embedding-70196945486151 (READ-ONLY COPY).

The authoritative reference and input builder live on the scoring server;
editing this copy changes nothing except your own understanding.
"""

import jax, jax.numpy as jnp
import numpy as np

EEG_VOCAB = 100000
ECG_VOCAB = 100000
HID = 128
PAD = 0
B = 4096
L = 50


def setup_inputs(seed: int = 0) -> dict:
    key = jax.random.key(seed)
    k1, k2, k3, k4 = jax.random.split(key, 4)
    eeg_table = jax.random.normal(k1, (EEG_VOCAB, HID), dtype=jnp.float32)
    eeg_table = eeg_table.at[PAD].set(0.0)  # padding_idx row is zero, matching torch
    ecg_table = jax.random.normal(k2, (ECG_VOCAB, HID), dtype=jnp.float32)
    ecg_table = ecg_table.at[PAD].set(0.0)
    eeg_input_ids = jax.random.randint(k3, (B, L), 0, EEG_VOCAB, dtype=jnp.int64 if jax.config.read('jax_enable_x64') else jnp.int32)
    ecg_input_ids = jax.random.randint(k4, (B, L), 0, ECG_VOCAB, dtype=jnp.int64 if jax.config.read('jax_enable_x64') else jnp.int32)
    return {
        "eeg_input_ids": eeg_input_ids,
        "ecg_input_ids": ecg_input_ids,
        "eeg_table": eeg_table,
        "ecg_table": ecg_table,
    }


def reference(eeg_input_ids, ecg_input_ids, eeg_table, ecg_table):
    eeg_embeds = jnp.take(eeg_table, eeg_input_ids, axis=0)
    ecg_embeds = jnp.take(ecg_table, ecg_input_ids, axis=0)
    return (eeg_embeds, ecg_embeds)

if __name__ == "__main__":
    import jax
    _d = setup_inputs()
    print(jax.jit(kernel)(*tuple(_d.values())))

</pallas_src>

<mosaic_0001>
#map = affine_map<(d0, d1) -> (0, 0)>
#map1 = affine_map<(d0, d1) -> (0, 0, 0)>
module attributes {stable_mosaic.version = 14 : i64} {
  func.func @_body(%arg0: i32, %arg1: i32, %arg2: memref<100000x128xf32, #tpu.memory_space<hbm>>, %arg3: memref<100000x128xf32, #tpu.memory_space<hbm>>, %arg4: memref<50x4096xi32, #tpu.memory_space<hbm>>, %arg5: memref<50x4096xi32, #tpu.memory_space<hbm>>, %arg6: memref<50x4096x128xf32, #tpu.memory_space<hbm>>, %arg7: memref<50x4096x128xf32, #tpu.memory_space<hbm>>, %arg8: memref<50x128xi32, #tpu.memory_space<vmem>>, %arg9: memref<64x128xf32, #tpu.memory_space<vmem>>, %arg10: memref<64x128xf32, #tpu.memory_space<vmem>>, %arg11: memref<64x128xf32, #tpu.memory_space<vmem>>, %arg12: memref<64x128xf32, #tpu.memory_space<vmem>>, %arg13: memref<64x128xf32, #tpu.memory_space<vmem>>, %arg14: memref<!tpu.dma_semaphore, #tpu.memory_space<semaphore_mem>>, %arg15: memref<!tpu.dma_semaphore, #tpu.memory_space<semaphore_mem>>, %arg16: memref<!tpu.dma_semaphore, #tpu.memory_space<semaphore_mem>>, %arg17: memref<!tpu.dma_semaphore, #tpu.memory_space<semaphore_mem>>, %arg18: memref<!tpu.dma_semaphore, #tpu.memory_space<semaphore_mem>>, %arg19: memref<!tpu.dma_semaphore, #tpu.memory_space<semaphore_mem>>, %arg20: memref<!tpu.dma_semaphore, #tpu.memory_space<semaphore_mem>>, %arg21: memref<!tpu.dma_semaphore, #tpu.memory_space<semaphore_mem>>, %arg22: memref<!tpu.dma_semaphore, #tpu.memory_space<semaphore_mem>>, %arg23: memref<!tpu.dma_semaphore, #tpu.memory_space<semaphore_mem>>) attributes {dimension_semantics = [#tpu.dimension_semantics<core_parallel>, #tpu.dimension_semantics<subcore_parallel>], iteration_bounds = array<i64: 2, 16>, scalar_prefetch = 0 : i64, scratch_operands = 16 : i64, tpu.core_type = #tpu.core_type<sc_vector_subcore>, window_params = [{transform_indices = #map}, {transform_indices = #map}, {transform_indices = #map}, {transform_indices = #map}, {transform_indices = #map1}, {transform_indices = #map1}]} {
    %mul3A = arith.constant 16 : i32
    %mul3A_0 = arith.muli %arg0, %mul3A : i32
    %add3A = arith.addi %mul3A_0, %arg1 : i32
    %mul3A_1 = arith.constant 128 : i32
    %mul3A_2 = arith.muli %add3A, %mul3A_1 : i32
    "tpu.region"() ({
      %run_scoped3A = tpu.sem_alloc : memref<!tpu.dma_semaphore, #tpu.memory_space<semaphore_mem>>
      %dma_start3A_88 = arith.constant 0 : i32
      %dma_start3A_89 = tpu.memref_slice %arg4[%dma_start3A_88, %mul3A_2] : memref<50x4096xi32, #tpu.memory_space<hbm>> -> memref<50x128xi32, #tpu.memory_space<hbm>>
      %dma_start3A_90 = arith.constant 0 : i32
      %dma_start3A_91 = tpu.memref_slice %arg4[%dma_start3A_90, %mul3A_2] : memref<50x4096xi32, #tpu.memory_space<hbm>> -> memref<50x128xi32, #tpu.memory_space<hbm>>
      tpu.enqueue_dma source(%dma_start3A_91 : memref<50x128xi32, #tpu.memory_space<hbm>>) target(%arg8 : memref<50x128xi32, #tpu.memory_space<vmem>>) target_semaphore(%run_scoped3A : memref<!tpu.dma_semaphore, #tpu.memory_space<semaphore_mem>>)
      %dma_wait3A_92 = arith.constant 0 : i32
      %dma_wait3A_93 = tpu.memref_slice %arg4[%dma_wait3A_92, %mul3A_2] : memref<50x4096xi32, #tpu.memory_space<hbm>> -> memref<50x128xi32, #tpu.memory_space<hbm>>
      %dma_wait3A_94 = arith.constant 0 : i32
      %dma_wait3A_95 = tpu.memref_slice %arg4[%dma_wait3A_94, %mul3A_2] : memref<50x4096xi32, #tpu.memory_space<hbm>> -> memref<50x128xi32, #tpu.memory_space<hbm>>
      tpu.wait_dma2 semaphore(%run_scoped3A : memref<!tpu.dma_semaphore, #tpu.memory_space<semaphore_mem>>) src(%dma_wait3A_95 : memref<50x128xi32, #tpu.memory_space<hbm>>) dst(%arg8 : memref<50x128xi32, #tpu.memory_space<vmem>>)
      tpu.yield
    }) : () -> ()
    %dma_start3A = arith.constant 0 : i32
    %dma_start3A_3 = arith.constant 0 : i32
    %dma_start3A_4 = tpu.memref_slice %arg8[%dma_start3A, %dma_start3A_3] : memref<50x128xi32, #tpu.memory_space<vmem>> -> memref<1x64xi32, #tpu.memory_space<vmem>>
    %dma_start3A_5 = tpu.memref_squeeze %dma_start3A_4 : memref<1x64xi32, #tpu.memory_space<vmem>> -> memref<64xi32, #tpu.memory_space<vmem>>
    %dma_start3A_6 = arith.constant 0 : i32
    %dma_start3A_7 = arith.constant 0 : i32
    %dma_start3A_8 = tpu.memref_slice %arg2[%dma_start3A_6, %dma_start3A_7] : memref<100000x128xf32, #tpu.memory_space<hbm>> -> memref<100000x128xf32, #tpu.memory_space<hbm>>
    tpu.enqueue_indirect_dma source(%dma_start3A_8 : memref<100000x128xf32, #tpu.memory_space<hbm>>) target(%arg9 : memref<64x128xf32, #tpu.memory_space<vmem>>) offsets(%dma_start3A_5 : memref<64xi32, #tpu.memory_space<vmem>>) semaphore(%arg14 : memref<!tpu.dma_semaphore, #tpu.memory_space<semaphore_mem>>)
    %dma_start3A_9 = arith.constant 0 : i32
    %dma_start3A_10 = arith.constant 64 : i32
    %dma_start3A_11 = tpu.memref_slice %arg8[%dma_start3A_9, %dma_start3A_10] : memref<50x128xi32, #tpu.memory_space<vmem>> -> memref<1x64xi32, #tpu.memory_space<vmem>>
    %dma_start3A_12 = tpu.memref_squeeze %dma_start3A_11 : memref<1x64xi32, #tpu.memory_space<vmem>> -> memref<64xi32, #tpu.memory_space<vmem>>
    %dma_start3A_13 = arith.constant 0 : i32
    %dma_start3A_14 = arith.constant 0 : i32
    %dma_start3A_15 = tpu.memref_slice %arg2[%dma_start3A_13, %dma_start3A_14] : memref<100000x128xf32, #tpu.memory_space<hbm>> -> memref<100000x128xf32, #tpu.memory_space<hbm>>
    tpu.enqueue_indirect_dma source(%dma_start3A_15 : memref<100000x128xf32, #tpu.memory_space<hbm>>) target(%arg10 : memref<64x128xf32, #tpu.memory_space<vmem>>) offsets(%dma_start3A_12 : memref<64xi32, #tpu.memory_space<vmem>>) semaphore(%arg15 : memref<!tpu.dma_semaphore, #tpu.memory_space<semaphore_mem>>)
    %dma_start3A_16 = arith.constant 1 : i32
    %dma_start3A_17 = arith.constant 0 : i32
    %dma_start3A_18 = tpu.memref_slice %arg8[%dma_start3A_16, %dma_start3A_17] : memref<50x128xi32, #tpu.memory_space<vmem>> -> memref<1x64xi32, #tpu.memory_space<vmem>>
    %dma_start3A_19 = tpu.memref_squeeze %dma_start3A_18 : memref<1x64xi32, #tpu.memory_space<vmem>> -> memref<64xi32, #tpu.memory_space<vmem>>
    %dma_start3A_20 = arith.constant 0 : i32
    %dma_start3A_21 = arith.constant 0 : i32
    %dma_start3A_22 = tpu.memref_slice %arg2[%dma_start3A_20, %dma_start3A_21] : memref<100000x128xf32, #tpu.memory_space<hbm>> -> memref<100000x128xf32, #tpu.memory_space<hbm>>
    tpu.enqueue_indirect_dma source(%dma_start3A_22 : memref<100000x128xf32, #tpu.memory_space<hbm>>) target(%arg11 : memref<64x128xf32, #tpu.memory_space<vmem>>) offsets(%dma_start3A_19 : memref<64xi32, #tpu.memory_space<vmem>>) semaphore(%arg16 : memref<!tpu.dma_semaphore, #tpu.memory_space<semaphore_mem>>)
    %scan3A = arith.constant 0 : i32
    %scan3A_23 = arith.constant 20 : i32
    %scan3A_24 = arith.addi %scan3A, %scan3A_23 : i32
    %scan3A_25 = arith.constant 1 : i32
    scf.for %scan3A_88 = %scan3A to %scan3A_24 step %scan3A_25  : i32 {
      %mul3A_89 = arith.constant 5 : i32
      %mul3A_90 = arith.muli %scan3A_88, %mul3A_89 : i32
      %add3A_91 = arith.constant 0 : i32
      %add3A_92 = arith.addi %mul3A_90, %add3A_91 : i32
      %ge3A = arith.constant 2 : i32
      %ge3A_93 = arith.cmpi sge, %add3A_92, %ge3A : i32
      %convert_element_type3A = arith.extui %ge3A_93 : i1 to i32
      %cond3A = arith.constant 0 : i32
      %cond3A_94 = arith.cmpi ne, %convert_element_type3A, %cond3A : i32
      scf.if %cond3A_94 {
        %sub3A_636 = arith.constant 2 : i32
        %sub3A_637 = arith.subi %add3A_92, %sub3A_636 : i32
        %jit3A_638 = arith.constant 2 : i32
        %div3A_639 = arith.divsi %sub3A_637, %jit3A_638 : i32
        %sign3A_640 = arith.constant 0 : i32
        %sign3A_641 = arith.cmpi sgt, %sub3A_637, %sign3A_640 : i32
        %sign3A_642 = arith.extui %sign3A_641 : i1 to i32
        %sign3A_643 = arith.constant 0 : i32
        %sign3A_644 = arith.cmpi slt, %sub3A_637, %sign3A_643 : i32
        %sign3A_645 = arith.extui %sign3A_644 : i1 to i32
        %sign3A_646 = arith.subi %sign3A_642, %sign3A_645 : i32
        %sign3A_647 = arith.constant 0 : i32
        %sign3A_648 = arith.cmpi sgt, %jit3A_638, %sign3A_647 : i32
        %sign3A_649 = arith.extui %sign3A_648 : i1 to i32
        %sign3A_650 = arith.constant 0 : i32
        %sign3A_651 = arith.cmpi slt, %jit3A_638, %sign3A_650 : i32
        %sign3A_652 = arith.extui %sign3A_651 : i1 to i32
        %sign3A_653 = arith.subi %sign3A_649, %sign3A_652 : i32
        %ne3A_654 = arith.cmpi ne, %sign3A_646, %sign3A_653 : i32
        %rem3A_655 = arith.remsi %sub3A_637, %jit3A_638 : i32
        %ne3A_656 = arith.constant 0 : i32
        %ne3A_657 = arith.cmpi ne, %rem3A_655, %ne3A_656 : i32
        %and3A_658 = arith.andi %ne3A_654, %ne3A_657 : i1
        %sub3A_659 = arith.constant 1 : i32
        %sub3A_660 = arith.subi %div3A_639, %sub3A_659 : i32
        %select_n3A_661 = arith.select %and3A_658, %sub3A_660, %div3A_639 : i32
        %jit3A_662 = arith.constant 2 : i32
        %eq3A_663 = arith.constant 0 : i32
        %eq3A_664 = arith.cmpi eq, %jit3A_662, %eq3A_663 : i32
        %jit3A_665 = arith.constant 1 : i32
        %select_n3A_666 = arith.select %eq3A_664, %jit3A_665, %jit3A_662 : i32
        %rem3A_667 = arith.remsi %sub3A_637, %select_n3A_666 : i32
        %ne3A_668 = arith.constant 0 : i32
        %ne3A_669 = arith.cmpi ne, %rem3A_667, %ne3A_668 : i32
        %lt3A_670 = arith.constant 0 : i32
        %lt3A_671 = arith.cmpi slt, %rem3A_667, %lt3A_670 : i32
        %lt3A_672 = arith.constant 0 : i32
        %lt3A_673 = arith.cmpi slt, %select_n3A_666, %lt3A_672 : i32
        %ne3A_674 = arith.xori %lt3A_671, %lt3A_673 : i1
        %and3A_675 = arith.andi %ne3A_674, %ne3A_669 : i1
        %add3A_676 = arith.addi %rem3A_667, %select_n3A_666 : i32
        %select_n3A_677 = arith.select %and3A_675, %add3A_676, %rem3A_667 : i32
        %mul3A_678 = arith.constant 64 : i32
        %mul3A_679 = arith.muli %select_n3A_677, %mul3A_678 : i32
        %add3A_680 = arith.addi %mul3A_2, %mul3A_679 : i32
        %dma_wait3A_681 = arith.constant 0 : i32
        %dma_wait3A_682 = tpu.memref_slice %arg6[%select_n3A_661, %add3A_680, %dma_wait3A_681] : memref<50x4096x128xf32, #tpu.memory_space<hbm>> -> memref<1x64x128xf32, #tpu.memory_space<hbm>>
        %dma_wait3A_683 = tpu.memref_squeeze %dma_wait3A_682 : memref<1x64x128xf32, #tpu.memory_space<hbm>> -> memref<64x128xf32, #tpu.memory_space<hbm>>
        %dma_wait3A_684 = arith.constant 0 : i32
        %dma_wait3A_685 = tpu.memref_slice %arg6[%select_n3A_661, %add3A_680, %dma_wait3A_684] : memref<50x4096x128xf32, #tpu.memory_space<hbm>> -> memref<1x64x128xf32, #tpu.memory_space<hbm>>
        %dma_wait3A_686 = tpu.memref_squeeze %dma_wait3A_685 : memref<1x64x128xf32, #tpu.memory_space<hbm>> -> memref<64x128xf32, #tpu.memory_space<hbm>>
        tpu.wait_dma2 semaphore(%arg22 : memref<!tpu.dma_semaphore, #tpu.memory_space<semaphore_mem>>) src(%arg12 : memref<64x128xf32, #tpu.memory_space<vmem>>) dst(%dma_wait3A_686 : memref<64x128xf32, #tpu.memory_space<hbm>>)
      } else {
      }
      %add3A_95 = arith.constant 3 : i32
      %add3A_96 = arith.addi %add3A_92, %add3A_95 : i32
      %lt3A = arith.constant 100 : i32
      %lt3A_97 = arith.cmpi slt, %add3A_96, %lt3A : i32
      %convert_element_type3A_98 = arith.extui %lt3A_97 : i1 to i32
      %cond3A_99 = arith.constant 0 : i32
      %cond3A_100 = arith.cmpi ne, %convert_element_type3A_98, %cond3A_99 : i32
      scf.if %cond3A_100 {
        %add3A_636 = arith.constant 3 : i32
        %add3A_637 = arith.addi %add3A_92, %add3A_636 : i32
        %jit3A_638 = arith.constant 2 : i32
        %div3A_639 = arith.divsi %add3A_637, %jit3A_638 : i32
        %sign3A_640 = arith.constant 0 : i32
        %sign3A_641 = arith.cmpi sgt, %add3A_637, %sign3A_640 : i32
        %sign3A_642 = arith.extui %sign3A_641 : i1 to i32
        %sign3A_643 = arith.constant 0 : i32
        %sign3A_644 = arith.cmpi slt, %add3A_637, %sign3A_643 : i32
        %sign3A_645 = arith.extui %sign3A_644 : i1 to i32
        %sign3A_646 = arith.subi %sign3A_642, %sign3A_645 : i32
        %sign3A_647 = arith.constant 0 : i32
        %sign3A_648 = arith.cmpi sgt, %jit3A_638, %sign3A_647 : i32
        %sign3A_649 = arith.extui %sign3A_648 : i1 to i32
        %sign3A_650 = arith.constant 0 : i32
        %sign3A_651 = arith.cmpi slt, %jit3A_638, %sign3A_650 : i32
        %sign3A_652 = arith.extui %sign3A_651 : i1 to i32
        %sign3A_653 = arith.subi %sign3A_649, %sign3A_652 : i32
        %ne3A_654 = arith.cmpi ne, %sign3A_646, %sign3A_653 : i32
        %rem3A_655 = arith.remsi %add3A_637, %jit3A_638 : i32
        %ne3A_656 = arith.constant 0 : i32
        %ne3A_657 = arith.cmpi ne, %rem3A_655, %ne3A_656 : i32
        %and3A_658 = arith.andi %ne3A_654, %ne3A_657 : i1
        %sub3A_659 = arith.constant 1 : i32
        %sub3A_660 = arith.subi %div3A_639, %sub3A_659 : i32
        %select_n3A_661 = arith.select %and3A_658, %sub3A_660, %div3A_639 : i32
        %jit3A_662 = arith.constant 2 : i32
        %eq3A_663 = arith.constant 0 : i32
        %eq3A_664 = arith.cmpi eq, %jit3A_662, %eq3A_663 : i32
        %jit3A_665 = arith.constant 1 : i32
        %select_n3A_666 = arith.select %eq3A_664, %jit3A_665, %jit3A_662 : i32
        %rem3A_667 = arith.remsi %add3A_637, %select_n3A_666 : i32
        %ne3A_668 = arith.constant 0 : i32
        %ne3A_669 = arith.cmpi ne, %rem3A_667, %ne3A_668 : i32
        %lt3A_670 = arith.constant 0 : i32
        %lt3A_671 = arith.cmpi slt, %rem3A_667, %lt3A_670 : i32
        %lt3A_672 = arith.constant 0 : i32
        %lt3A_673 = arith.cmpi slt, %select_n3A_666, %lt3A_672 : i32
        %ne3A_674 = arith.xori %lt3A_671, %lt3A_673 : i1
        %and3A_675 = arith.andi %ne3A_674, %ne3A_669 : i1
        %add3A_676 = arith.addi %rem3A_667, %select_n3A_666 : i32
        %select_n3A_677 = arith.select %and3A_675, %add3A_676, %rem3A_667 : i32
        %mul3A_678 = arith.constant 64 : i32
        %mul3A_679 = arith.muli %select_n3A_677, %mul3A_678 : i32
        %dma_start3A_680 = tpu.memref_slice %arg8[%select_n3A_661, %mul3A_679] : memref<50x128xi32, #tpu.memory_space<vmem>> -> memref<1x64xi32, #tpu.memory_space<vmem>>
        %dma_start3A_681 = tpu.memref_squeeze %dma_start3A_680 : memref<1x64xi32, #tpu.memory_space<vmem>> -> memref<64xi32, #tpu.memory_space<vmem>>
        %dma_start3A_682 = arith.constant 0 : i32
        %dma_start3A_683 = arith.constant 0 : i32
        %dma_start3A_684 = tpu.memref_slice %arg2[%dma_start3A_682, %dma_start3A_683] : memref<100000x128xf32, #tpu.memory_space<hbm>> -> memref<100000x128xf32, #tpu.memory_space<hbm>>
        tpu.enqueue_indirect_dma source(%dma_start3A_684 : memref<100000x128xf32, #tpu.memory_space<hbm>>) target(%arg12 : memref<64x128xf32, #tpu.memory_space<vmem>>) offsets(%dma_start3A_681 : memref<64xi32, #tpu.memory_space<vmem>>) semaphore(%arg17 : memref<!tpu.dma_semaphore, #tpu.memory_space<semaphore_mem>>)
      } else {
      }
      %jit3A = arith.constant 2 : i32
      %div3A = arith.divsi %add3A_92, %jit3A : i32
      %sign3A = arith.constant 0 : i32
      %sign3A_101 = arith.cmpi sgt, %add3A_92, %sign3A : i32
      %sign3A_102 = arith.extui %sign3A_101 : i1 to i32
      %sign3A_103 = arith.constant 0 : i32
      %sign3A_104 = arith.cmpi slt, %add3A_92, %sign3A_103 : i32
      %sign3A_105 = arith.extui %sign3A_104 : i1 to i32
      %sign3A_106 = arith.subi %sign3A_102, %sign3A_105 : i32
      %sign3A_107 = arith.constant 0 : i32
      %sign3A_108 = arith.cmpi sgt, %jit3A, %sign3A_107 : i32
      %sign3A_109 = arith.extui %sign3A_108 : i1 to i32
      %sign3A_110 = arith.constant 0 : i32
      %sign3A_111 = arith.cmpi slt, %jit3A, %sign3A_110 : i32
      %sign3A_112 = arith.extui %sign3A_111 : i1 to i32
      %sign3A_113 = arith.subi %sign3A_109, %sign3A_112 : i32
      %ne3A = arith.cmpi ne, %sign3A_106, %sign3A_113 : i32
      %rem3A = arith.remsi %add3A_92, %jit3A : i32
      %ne3A_114 = arith.constant 0 : i32
      %ne3A_115 = arith.cmpi ne, %rem3A, %ne3A_114 : i32
      %and3A = arith.andi %ne3A, %ne3A_115 : i1
      %sub3A = arith.constant 1 : i32
      %sub3A_116 = arith.subi %div3A, %sub3A : i32
      %select_n3A = arith.select %and3A, %sub3A_116, %div3A : i32
      %jit3A_117 = arith.constant 2 : i32
      %eq3A = arith.constant 0 : i32
      %eq3A_118 = arith.cmpi eq, %jit3A_117, %eq3A : i32
      %jit3A_119 = arith.constant 1 : i32
      %select_n3A_120 = arith.select %eq3A_118, %jit3A_119, %jit3A_117 : i32
      %rem3A_121 = arith.remsi %add3A_92, %select_n3A_120 : i32
      %ne3A_122 = arith.constant 0 : i32
      %ne3A_123 = arith.cmpi ne, %rem3A_121, %ne3A_122 : i32
      %lt3A_124 = arith.constant 0 : i32
      %lt3A_125 = arith.cmpi slt, %rem3A_121, %lt3A_124 : i32
      %lt3A_126 = arith.constant 0 : i32
      %lt3A_127 = arith.cmpi slt, %select_n3A_120, %lt3A_126 : i32
      %ne3A_128 = arith.xori %lt3A_125, %lt3A_127 : i1
      %and3A_129 = arith.andi %ne3A_128, %ne3A_123 : i1
      %add3A_130 = arith.addi %rem3A_121, %select_n3A_120 : i32
      %select_n3A_131 = arith.select %and3A_129, %add3A_130, %rem3A_121 : i32
      %mul3A_132 = arith.constant 64 : i32
      %mul3A_133 = arith.muli %select_n3A_131, %mul3A_132 : i32
      %dma_wait3A_134 = tpu.memref_slice %arg8[%select_n3A, %mul3A_133] : memref<50x128xi32, #tpu.memory_space<vmem>> -> memref<1x64xi32, #tpu.memory_space<vmem>>
      %dma_wait3A_135 = tpu.memref_squeeze %dma_wait3A_134 : memref<1x64xi32, #tpu.memory_space<vmem>> -> memref<64xi32, #tpu.memory_space<vmem>>
      %dma_wait3A_136 = arith.constant 0 : i32
      %dma_wait3A_137 = arith.constant 0 : i32
      %dma_wait3A_138 = tpu.memref_slice %arg2[%dma_wait3A_136, %dma_wait3A_137] : memref<100000x128xf32, #tpu.memory_space<hbm>> -> memref<100000x128xf32, #tpu.memory_space<hbm>>
      tpu.wait_indirect_dma semaphore(%arg14 : memref<!tpu.dma_semaphore, #tpu.memory_space<semaphore_mem>>) src(%dma_wait3A_138 : memref<100000x128xf32, #tpu.memory_space<hbm>>) dst(%arg9 : memref<64x128xf32, #tpu.memory_space<vmem>>)
      %jit3A_139 = arith.constant 2 : i32
      %div3A_140 = arith.divsi %add3A_92, %jit3A_139 : i32
      %sign3A_141 = arith.constant 0 : i32
      %sign3A_142 = arith.cmpi sgt, %add3A_92, %sign3A_141 : i32
      %sign3A_143 = arith.extui %sign3A_142 : i1 to i32
      %sign3A_144 = arith.constant 0 : i32
      %sign3A_145 = arith.cmpi slt, %add3A_92, %sign3A_144 : i32
      %sign3A_146 = arith.extui %sign3A_145 : i1 to i32
      %sign3A_147 = arith.subi %sign3A_143, %sign3A_146 : i32
      %sign3A_148 = arith.constant 0 : i32
      %sign3A_149 = arith.cmpi sgt, %jit3A_139, %sign3A_148 : i32
      %sign3A_150 = arith.extui %sign3A_149 : i1 to i32
      %sign3A_151 = arith.constant 0 : i32
      %sign3A_152 = arith.cmpi slt, %jit3A_139, %sign3A_151 : i32
      %sign3A_153 = arith.extui %sign3A_152 : i1 to i32
      %sign3A_154 = arith.subi %sign3A_150, %sign3A_153 : i32
      %ne3A_155 = arith.cmpi ne, %sign3A_147, %sign3A_154 : i32
      %rem3A_156 = arith.remsi %add3A_92, %jit3A_139 : i32
      %ne3A_157 = arith.constant 0 : i32
      %ne3A_158 = arith.cmpi ne, %rem3A_156, %ne3A_157 : i32
      %and3A_159 = arith.andi %ne3A_155, %ne3A_158 : i1
      %sub3A_160 = arith.constant 1 : i32
      %sub3A_161 = arith.subi %div3A_140, %sub3A_160 : i32
      %select_n3A_162 = arith.select %and3A_159, %sub3A_161, %div3A_140 : i32
      %jit3A_163 = arith.constant 2 : i32
      %eq3A_164 = arith.constant 0 : i32
      %eq3A_165 = arith.cmpi eq, %jit3A_163, %eq3A_164 : i32
      %jit3A_166 = arith.constant 1 : i32
      %select_n3A_167 = arith.select %eq3A_165, %jit3A_166, %jit3A_163 : i32
      %rem3A_168 = arith.remsi %add3A_92, %select_n3A_167 : i32
      %ne3A_169 = arith.constant 0 : i32
      %ne3A_170 = arith.cmpi ne, %rem3A_168, %ne3A_169 : i32
      %lt3A_171 = arith.constant 0 : i32
      %lt3A_172 = arith.cmpi slt, %rem3A_168, %lt3A_171 : i32
      %lt3A_173 = arith.constant 0 : i32
      %lt3A_174 = arith.cmpi slt, %select_n3A_167, %lt3A_173 : i32
      %ne3A_175 = arith.xori %lt3A_172, %lt3A_174 : i1
      %and3A_176 = arith.andi %ne3A_175, %ne3A_170 : i1
      %add3A_177 = arith.addi %rem3A_168, %select_n3A_167 : i32
      %select_n3A_178 = arith.select %and3A_176, %add3A_177, %rem3A_168 : i32
      %mul3A_179 = arith.constant 64 : i32
      %mul3A_180 = arith.muli %select_n3A_178, %mul3A_179 : i32
      %add3A_181 = arith.addi %mul3A_2, %mul3A_180 : i32
      %dma_start3A_182 = arith.constant 0 : i32
      %dma_start3A_183 = tpu.memref_slice %arg6[%select_n3A_162, %add3A_181, %dma_start3A_182] : memref<50x4096x128xf32, #tpu.memory_space<hbm>> -> memref<1x64x128xf32, #tpu.memory_space<hbm>>
      %dma_start3A_184 = tpu.memref_squeeze %dma_start3A_183 : memref<1x64x128xf32, #tpu.memory_space<hbm>> -> memref<64x128xf32, #tpu.memory_space<hbm>>
      %dma_start3A_185 = arith.constant 0 : i32
      %dma_start3A_186 = tpu.memref_slice %arg6[%select_n3A_162, %add3A_181, %dma_start3A_185] : memref<50x4096x128xf32, #tpu.memory_space<hbm>> -> memref<1x64x128xf32, #tpu.memory_space<hbm>>
      %dma_start3A_187 = tpu.memref_squeeze %dma_start3A_186 : memref<1x64x128xf32, #tpu.memory_space<hbm>> -> memref<64x128xf32, #tpu.memory_space<hbm>>
      tpu.enqueue_dma source(%arg9 : memref<64x128xf32, #tpu.memory_space<vmem>>) target(%dma_start3A_187 : memref<64x128xf32, #tpu.memory_space<hbm>>) target_semaphore(%arg19 : memref<!tpu.dma_semaphore, #tpu.memory_space<semaphore_mem>>)
      %mul3A_188 = arith.constant 5 : i32
      %mul3A_189 = arith.muli %scan3A_88, %mul3A_188 : i32
      %add3A_190 = arith.constant 1 : i32
      %add3A_191 = arith.addi %mul3A_189, %add3A_190 : i32
      %ge3A_192 = arith.constant 2 : i32
      %ge3A_193 = arith.cmpi sge, %add3A_191, %ge3A_192 : i32
      %convert_element_type3A_194 = arith.extui %ge3A_193 : i1 to i32
      %cond3A_195 = arith.constant 0 : i32
      %cond3A_196 = arith.cmpi ne, %convert_element_type3A_194, %cond3A_195 : i32
      scf.if %cond3A_196 {
        %sub3A_636 = arith.constant 2 : i32
        %sub3A_637 = arith.subi %add3A_191, %sub3A_636 : i32
        %jit3A_638 = arith.constant 2 : i32
        %div3A_639 = arith.divsi %sub3A_637, %jit3A_638 : i32
        %sign3A_640 = arith.constant 0 : i32
        %sign3A_641 = arith.cmpi sgt, %sub3A_637, %sign3A_640 : i32
        %sign3A_642 = arith.extui %sign3A_641 : i1 to i32
        %sign3A_643 = arith.constant 0 : i32
        %sign3A_644 = arith.cmpi slt, %sub3A_637, %sign3A_643 : i32
        %sign3A_645 = arith.extui %sign3A_644 : i1 to i32
        %sign3A_646 = arith.subi %sign3A_642, %sign3A_645 : i32
        %sign3A_647 = arith.constant 0 : i32
        %sign3A_648 = arith.cmpi sgt, %jit3A_638, %sign3A_647 : i32
        %sign3A_649 = arith.extui %sign3A_648 : i1 to i32
        %sign3A_650 = arith.constant 0 : i32
        %sign3A_651 = arith.cmpi slt, %jit3A_638, %sign3A_650 : i32
        %sign3A_652 = arith.extui %sign3A_651 : i1 to i32
        %sign3A_653 = arith.subi %sign3A_649, %sign3A_652 : i32
        %ne3A_654 = arith.cmpi ne, %sign3A_646, %sign3A_653 : i32
        %rem3A_655 = arith.remsi %sub3A_637, %jit3A_638 : i32
        %ne3A_656 = arith.constant 0 : i32
        %ne3A_657 = arith.cmpi ne, %rem3A_655, %ne3A_656 : i32
        %and3A_658 = arith.andi %ne3A_654, %ne3A_657 : i1
        %sub3A_659 = arith.constant 1 : i32
        %sub3A_660 = arith.subi %div3A_639, %sub3A_659 : i32
        %select_n3A_661 = arith.select %and3A_658, %sub3A_660, %div3A_639 : i32
        %jit3A_662 = arith.constant 2 : i32
        %eq3A_663 = arith.constant 0 : i32
        %eq3A_664 = arith.cmpi eq, %jit3A_662, %eq3A_663 : i32
        %jit3A_665 = arith.constant 1 : i32
        %select_n3A_666 = arith.select %eq3A_664, %jit3A_665, %jit3A_662 : i32
        %rem3A_667 = arith.remsi %sub3A_637, %select_n3A_666 : i32
        %ne3A_668 = arith.constant 0 : i32
        %ne3A_669 = arith.cmpi ne, %rem3A_667, %ne3A_668 : i32
        %lt3A_670 = arith.constant 0 : i32
        %lt3A_671 = arith.cmpi slt, %rem3A_667, %lt3A_670 : i32
        %lt3A_672 = arith.constant 0 : i32
        %lt3A_673 = arith.cmpi slt, %select_n3A_666, %lt3A_672 : i32
        %ne3A_674 = arith.xori %lt3A_671, %lt3A_673 : i1
        %and3A_675 = arith.andi %ne3A_674, %ne3A_669 : i1
        %add3A_676 = arith.addi %rem3A_667, %select_n3A_666 : i32
        %select_n3A_677 = arith.select %and3A_675, %add3A_676, %rem3A_667 : i32
        %mul3A_678 = arith.constant 64 : i32
        %mul3A_679 = arith.muli %select_n3A_677, %mul3A_678 : i32
        %add3A_680 = arith.addi %mul3A_2, %mul3A_679 : i32
        %dma_wait3A_681 = arith.constant 0 : i32
        %dma_wait3A_682 = tpu.memref_slice %arg6[%select_n3A_661, %add3A_680, %dma_wait3A_681] : memref<50x4096x128xf32, #tpu.memory_space<hbm>> -> memref<1x64x128xf32, #tpu.memory_space<hbm>>
        %dma_wait3A_683 = tpu.memref_squeeze %dma_wait3A_682 : memref<1x64x128xf32, #tpu.memory_space<hbm>> -> memref<64x128xf32, #tpu.memory_space<hbm>>
        %dma_wait3A_684 = arith.constant 0 : i32
        %dma_wait3A_685 = tpu.memref_slice %arg6[%select_n3A_661, %add3A_680, %dma_wait3A_684] : memref<50x4096x128xf32, #tpu.memory_space<hbm>> -> memref<1x64x128xf32, #tpu.memory_space<hbm>>
        %dma_wait3A_686 = tpu.memref_squeeze %dma_wait3A_685 : memref<1x64x128xf32, #tpu.memory_space<hbm>> -> memref<64x128xf32, #tpu.memory_space<hbm>>
        tpu.wait_dma2 semaphore(%arg23 : memref<!tpu.dma_semaphore, #tpu.memory_space<semaphore_mem>>) src(%arg13 : memref<64x128xf32, #tpu.memory_space<vmem>>) dst(%dma_wait3A_686 : memref<64x128xf32, #tpu.memory_space<hbm>>)
      } else {
      }
      %add3A_197 = arith.constant 3 : i32
      %add3A_198 = arith.addi %add3A_191, %add3A_197 : i32
      %lt3A_199 = arith.constant 100 : i32
      %lt3A_200 = arith.cmpi slt, %add3A_198, %lt3A_199 : i32
      %convert_element_type3A_201 = arith.extui %lt3A_200 : i1 to i32
      %cond3A_202 = arith.constant 0 : i32
      %cond3A_203 = arith.cmpi ne, %convert_element_type3A_201, %cond3A_202 : i32
      scf.if %cond3A_203 {
        %add3A_636 = arith.constant 3 : i32
        %add3A_637 = arith.addi %add3A_191, %add3A_636 : i32
        %jit3A_638 = arith.constant 2 : i32
        %div3A_639 = arith.divsi %add3A_637, %jit3A_638 : i32
        %sign3A_640 = arith.constant 0 : i32
        %sign3A_641 = arith.cmpi sgt, %add3A_637, %sign3A_640 : i32
        %sign3A_642 = arith.extui %sign3A_641 : i1 to i32
        %sign3A_643 = arith.constant 0 : i32
        %sign3A_644 = arith.cmpi slt, %add3A_637, %sign3A_643 : i32
        %sign3A_645 = arith.extui %sign3A_644 : i1 to i32
        %sign3A_646 = arith.subi %sign3A_642, %sign3A_645 : i32
        %sign3A_647 = arith.constant 0 : i32
        %sign3A_648 = arith.cmpi sgt, %jit3A_638, %sign3A_647 : i32
        %sign3A_649 = arith.extui %sign3A_648 : i1 to i32
        %sign3A_650 = arith.constant 0 : i32
        %sign3A_651 = arith.cmpi slt, %jit3A_638, %sign3A_650 : i32
        %sign3A_652 = arith.extui %sign3A_651 : i1 to i32
        %sign3A_653 = arith.subi %sign3A_649, %sign3A_652 : i32
        %ne3A_654 = arith.cmpi ne, %sign3A_646, %sign3A_653 : i32
        %rem3A_655 = arith.remsi %add3A_637, %jit3A_638 : i32
        %ne3A_656 = arith.constant 0 : i32
        %ne3A_657 = arith.cmpi ne, %rem3A_655, %ne3A_656 : i32
        %and3A_658 = arith.andi %ne3A_654, %ne3A_657 : i1
        %sub3A_659 = arith.constant 1 : i32
        %sub3A_660 = arith.subi %div3A_639, %sub3A_659 : i32
        %select_n3A_661 = arith.select %and3A_658, %sub3A_660, %div3A_639 : i32
        %jit3A_662 = arith.constant 2 : i32
        %eq3A_663 = arith.constant 0 : i32
        %eq3A_664 = arith.cmpi eq, %jit3A_662, %eq3A_663 : i32
        %jit3A_665 = arith.constant 1 : i32
        %select_n3A_666 = arith.select %eq3A_664, %jit3A_665, %jit3A_662 : i32
        %rem3A_667 = arith.remsi %add3A_637, %select_n3A_666 : i32
        %ne3A_668 = arith.constant 0 : i32
        %ne3A_669 = arith.cmpi ne, %rem3A_667, %ne3A_668 : i32
        %lt3A_670 = arith.constant 0 : i32
        %lt3A_671 = arith.cmpi slt, %rem3A_667, %lt3A_670 : i32
        %lt3A_672 = arith.constant 0 : i32
        %lt3A_673 = arith.cmpi slt, %select_n3A_666, %lt3A_672 : i32
        %ne3A_674 = arith.xori %lt3A_671, %lt3A_673 : i1
        %and3A_675 = arith.andi %ne3A_674, %ne3A_669 : i1
        %add3A_676 = arith.addi %rem3A_667, %select_n3A_666 : i32
        %select_n3A_677 = arith.select %and3A_675, %add3A_676, %rem3A_667 : i32
        %mul3A_678 = arith.constant 64 : i32
        %mul3A_679 = arith.muli %select_n3A_677, %mul3A_678 : i32
        %dma_start3A_680 = tpu.memref_slice %arg8[%select_n3A_661, %mul3A_679] : memref<50x128xi32, #tpu.memory_space<vmem>> -> memref<1x64xi32, #tpu.memory_space<vmem>>
        %dma_start3A_681 = tpu.memref_squeeze %dma_start3A_680 : memref<1x64xi32, #tpu.memory_space<vmem>> -> memref<64xi32, #tpu.memory_space<vmem>>
        %dma_start3A_682 = arith.constant 0 : i32
        %dma_start3A_683 = arith.constant 0 : i32
        %dma_start3A_684 = tpu.memref_slice %arg2[%dma_start3A_682, %dma_start3A_683] : memref<100000x128xf32, #tpu.memory_space<hbm>> -> memref<100000x128xf32, #tpu.memory_space<hbm>>
        tpu.enqueue_indirect_dma source(%dma_start3A_684 : memref<100000x128xf32, #tpu.memory_space<hbm>>) target(%arg13 : memref<64x128xf32, #tpu.memory_space<vmem>>) offsets(%dma_start3A_681 : memref<64xi32, #tpu.memory_space<vmem>>) semaphore(%arg18 : memref<!tpu.dma_semaphore, #tpu.memory_space<semaphore_mem>>)
      } else {
      }
      %jit3A_204 = arith.constant 2 : i32
      %div3A_205 = arith.divsi %add3A_191, %jit3A_204 : i32
      %sign3A_206 = arith.constant 0 : i32
      %sign3A_207 = arith.cmpi sgt, %add3A_191, %sign3A_206 : i32
      %sign3A_208 = arith.extui %sign3A_207 : i1 to i32
      %sign3A_209 = arith.constant 0 : i32
      %sign3A_210 = arith.cmpi slt, %add3A_191, %sign3A_209 : i32
      %sign3A_211 = arith.extui %sign3A_210 : i1 to i32
      %sign3A_212 = arith.subi %sign3A_208, %sign3A_211 : i32
      %sign3A_213 = arith.constant 0 : i32
      %sign3A_214 = arith.cmpi sgt, %jit3A_204, %sign3A_213 : i32
      %sign3A_215 = arith.extui %sign3A_214 : i1 to i32
      %sign3A_216 = arith.constant 0 : i32
      %sign3A_217 = arith.cmpi slt, %jit3A_204, %sign3A_216 : i32
      %sign3A_218 = arith.extui %sign3A_217 : i1 to i32
      %sign3A_219 = arith.subi %sign3A_215, %sign3A_218 : i32
      %ne3A_220 = arith.cmpi ne, %sign3A_212, %sign3A_219 : i32
      %rem3A_221 = arith.remsi %add3A_191, %jit3A_204 : i32
      %ne3A_222 = arith.constant 0 : i32
      %ne3A_223 = arith.cmpi ne, %rem3A_221, %ne3A_222 : i32
      %and3A_224 = arith.andi %ne3A_220, %ne3A_223 : i1
      %sub3A_225 = arith.constant 1 : i32
      %sub3A_226 = arith.subi %div3A_205, %sub3A_225 : i32
      %select_n3A_227 = arith.select %and3A_224, %sub3A_226, %div3A_205 : i32
      %jit3A_228 = arith.constant 2 : i32
      %eq3A_229 = arith.constant 0 : i32
      %eq3A_230 = arith.cmpi eq, %jit3A_228, %eq3A_229 : i32
      %jit3A_231 = arith.constant 1 : i32
      %select_n3A_232 = arith.select %eq3A_230, %jit3A_231, %jit3A_228 : i32
      %rem3A_233 = arith.remsi %add3A_191, %select_n3A_232 : i32
      %ne3A_234 = arith.constant 0 : i32
      %ne3A_235 = arith.cmpi ne, %rem3A_233, %ne3A_234 : i32
      %lt3A_236 = arith.constant 0 : i32
      %lt3A_237 = arith.cmpi slt, %rem3A_233, %lt3A_236 : i32
      %lt3A_238 = arith.constant 0 : i32
      %lt3A_239 = arith.cmpi slt, %select_n3A_232, %lt3A_238 : i32
      %ne3A_240 = arith.xori %lt3A_237, %lt3A_239 : i1
      %and3A_241 = arith.andi %ne3A_240, %ne3A_235 : i1
      %add3A_242 = arith.addi %rem3A_233, %select_n3A_232 : i32
      %select_n3A_243 = arith.select %and3A_241, %add3A_242, %rem3A_233 : i32
      %mul3A_244 = arith.constant 64 : i32
      %mul3A_245 = arith.muli %select_n3A_243, %mul3A_244 : i32
      %dma_wait3A_246 = tpu.memref_slice %arg8[%select_n3A_227, %mul3A_245] : memref<50x128xi32, #tpu.memory_space<vmem>> -> memref<1x64xi32, #tpu.memory_space<vmem>>
      %dma_wait3A_247 = tpu.memref_squeeze %dma_wait3A_246 : memref<1x64xi32, #tpu.memory_space<vmem>> -> memref<64xi32, #tpu.memory_space<vmem>>
      %dma_wait3A_248 = arith.constant 0 : i32
      %dma_wait3A_249 = arith.constant 0 : i32
      %dma_wait3A_250 = tpu.memref_slice %arg2[%dma_wait3A_248, %dma_wait3A_249] : memref<100000x128xf32, #tpu.memory_space<hbm>> -> memref<100000x128xf32, #tpu.memory_space<hbm>>
      tpu.wait_indirect_dma semaphore(%arg15 : memref<!tpu.dma_semaphore, #tpu.memory_space<semaphore_mem>>) src(%dma_wait3A_250 : memref<100000x128xf32, #tpu.memory_space<hbm>>) dst(%arg10 : memref<64x128xf32, #tpu.memory_space<vmem>>)
      %jit3A_251 = arith.constant 2 : i32
      %div3A_252 = arith.divsi %add3A_191, %jit3A_251 : i32
      %sign3A_253 = arith.constant 0 : i32
      %sign3A_254 = arith.cmpi sgt, %add3A_191, %sign3A_253 : i32
      %sign3A_255 = arith.extui %sign3A_254 : i1 to i32
      %sign3A_256 = arith.constant 0 : i32
      %sign3A_257 = arith.cmpi slt, %add3A_191, %sign3A_256 : i32
      %sign3A_258 = arith.extui %sign3A_257 : i1 to i32
      %sign3A_259 = arith.subi %sign3A_255, %sign3A_258 : i32
      %sign3A_260 = arith.constant 0 : i32
      %sign3A_261 = arith.cmpi sgt, %jit3A_251, %sign3A_260 : i32
      %sign3A_262 = arith.extui %sign3A_261 : i1 to i32
      %sign3A_263 = arith.constant 0 : i32
      %sign3A_264 = arith.cmpi slt, %jit3A_251, %sign3A_263 : i32
      %sign3A_265 = arith.extui %sign3A_264 : i1 to i32
      %sign3A_266 = arith.subi %sign3A_262, %sign3A_265 : i32
      %ne3A_267 = arith.cmpi ne, %sign3A_259, %sign3A_266 : i32
      %rem3A_268 = arith.remsi %add3A_191, %jit3A_251 : i32
      %ne3A_269 = arith.constant 0 : i32
      %ne3A_270 = arith.cmpi ne, %rem3A_268, %ne3A_269 : i32
      %and3A_271 = arith.andi %ne3A_267, %ne3A_270 : i1
      %sub3A_272 = arith.constant 1 : i32
      %sub3A_273 = arith.subi %div3A_252, %sub3A_272 : i32
      %select_n3A_274 = arith.select %and3A_271, %sub3A_273, %div3A_252 : i32
      %jit3A_275 = arith.constant 2 : i32
      %eq3A_276 = arith.constant 0 : i32
      %eq3A_277 = arith.cmpi eq, %jit3A_275, %eq3A_276 : i32
      %jit3A_278 = arith.constant 1 : i32
      %select_n3A_279 = arith.select %eq3A_277, %jit3A_278, %jit3A_275 : i32
      %rem3A_280 = arith.remsi %add3A_191, %select_n3A_279 : i32
      %ne3A_281 = arith.constant 0 : i32
      %ne3A_282 = arith.cmpi ne, %rem3A_280, %ne3A_281 : i32
      %lt3A_283 = arith.constant 0 : i32
      %lt3A_284 = arith.cmpi slt, %rem3A_280, %lt3A_283 : i32
      %lt3A_285 = arith.constant 0 : i32
      %lt3A_286 = arith.cmpi slt, %select_n3A_279, %lt3A_285 : i32
      %ne3A_287 = arith.xori %lt3A_284, %lt3A_286 : i1
      %and3A_288 = arith.andi %ne3A_287, %ne3A_282 : i1
      %add3A_289 = arith.addi %rem3A_280, %select_n3A_279 : i32
      %select_n3A_290 = arith.select %and3A_288, %add3A_289, %rem3A_280 : i32
      %mul3A_291 = arith.constant 64 : i32
      %mul3A_292 = arith.muli %select_n3A_290, %mul3A_291 : i32
      %add3A_293 = arith.addi %mul3A_2, %mul3A_292 : i32
      %dma_start3A_294 = arith.constant 0 : i32
      %dma_start3A_295 = tpu.memref_slice %arg6[%select_n3A_274, %add3A_293, %dma_start3A_294] : memref<50x4096x128xf32, #tpu.memory_space<hbm>> -> memref<1x64x128xf32, #tpu.memory_space<hbm>>
      %dma_start3A_296 = tpu.memref_squeeze %dma_start3A_295 : memref<1x64x128xf32, #tpu.memory_space<hbm>> -> memref<64x128xf32, #tpu.memory_space<hbm>>
      %dma_start3A_297 = arith.constant 0 : i32
      %dma_start3A_298 = tpu.memref_slice %arg6[%select_n3A_274, %add3A_293, %dma_start3A_297] : memref<50x4096x128xf32, #tpu.memory_space<hbm>> -> memref<1x64x128xf32, #tpu.memory_space<hbm>>
      %dma_start3A_299 = tpu.memref_squeeze %dma_start3A_298 : memref<1x64x128xf32, #tpu.memory_space<hbm>> -> memref<64x128xf32, #tpu.memory_space<hbm>>
      tpu.enqueue_dma source(%arg10 : memref<64x128xf32, #tpu.memory_space<vmem>>) target(%dma_start3A_299 : memref<64x128xf32, #tpu.memory_space<hbm>>) target_semaphore(%arg20 : memref<!tpu.dma_semaphore, #tpu.memory_space<semaphore_mem>>)
      %mul3A_300 = arith.constant 5 : i32
      %mul3A_301 = arith.muli %scan3A_88, %mul3A_300 : i32
      %add3A_302 = arith.constant 2 : i32
      %add3A_303 = arith.addi %mul3A_301, %add3A_302 : i32
      %ge3A_304 = arith.constant 2 : i32
      %ge3A_305 = arith.cmpi sge, %add3A_303, %ge3A_304 : i32
      %convert_element_type3A_306 = arith.extui %ge3A_305 : i1 to i32
      %cond3A_307 = arith.constant 0 : i32
      %cond3A_308 = arith.cmpi ne, %convert_element_type3A_306, %cond3A_307 : i32
      scf.if %cond3A_308 {
        %sub3A_636 = arith.constant 2 : i32
        %sub3A_637 = arith.subi %add3A_303, %sub3A_636 : i32
        %jit3A_638 = arith.constant 2 : i32
        %div3A_639 = arith.divsi %sub3A_637, %jit3A_638 : i32
        %sign3A_640 = arith.constant 0 : i32
        %sign3A_641 = arith.cmpi sgt, %sub3A_637, %sign3A_640 : i32
        %sign3A_642 = arith.extui %sign3A_641 : i1 to i32
        %sign3A_643 = arith.constant 0 : i32
        %sign3A_644 = arith.cmpi slt, %sub3A_637, %sign3A_643 : i32
        %sign3A_645 = arith.extui %sign3A_644 : i1 to i32
        %sign3A_646 = arith.subi %sign3A_642, %sign3A_645 : i32
        %sign3A_647 = arith.constant 0 : i32
        %sign3A_648 = arith.cmpi sgt, %jit3A_638, %sign3A_647 : i32
        %sign3A_649 = arith.extui %sign3A_648 : i1 to i32
        %sign3A_650 = arith.constant 0 : i32
        %sign3A_651 = arith.cmpi slt, %jit3A_638, %sign3A_650 : i32
        %sign3A_652 = arith.extui %sign3A_651 : i1 to i32
        %sign3A_653 = arith.subi %sign3A_649, %sign3A_652 : i32
        %ne3A_654 = arith.cmpi ne, %sign3A_646, %sign3A_653 : i32
        %rem3A_655 = arith.remsi %sub3A_637, %jit3A_638 : i32
        %ne3A_656 = arith.constant 0 : i32
        %ne3A_657 = arith.cmpi ne, %rem3A_655, %ne3A_656 : i32
        %and3A_658 = arith.andi %ne3A_654, %ne3A_657 : i1
        %sub3A_659 = arith.constant 1 : i32
        %sub3A_660 = arith.subi %div3A_639, %sub3A_659 : i32
        %select_n3A_661 = arith.select %and3A_658, %sub3A_660, %div3A_639 : i32
        %jit3A_662 = arith.constant 2 : i32
        %eq3A_663 = arith.constant 0 : i32
        %eq3A_664 = arith.cmpi eq, %jit3A_662, %eq3A_663 : i32
        %jit3A_665 = arith.constant 1 : i32
        %select_n3A_666 = arith.select %eq3A_664, %jit3A_665, %jit3A_662 : i32
        %rem3A_667 = arith.remsi %sub3A_637, %select_n3A_666 : i32
        %ne3A_668 = arith.constant 0 : i32
        %ne3A_669 = arith.cmpi ne, %rem3A_667, %ne3A_668 : i32
        %lt3A_670 = arith.constant 0 : i32
        %lt3A_671 = arith.cmpi slt, %rem3A_667, %lt3A_670 : i32
        %lt3A_672 = arith.constant 0 : i32
        %lt3A_673 = arith.cmpi slt, %select_n3A_666, %lt3A_672 : i32
        %ne3A_674 = arith.xori %lt3A_671, %lt3A_673 : i1
        %and3A_675 = arith.andi %ne3A_674, %ne3A_669 : i1
        %add3A_676 = arith.addi %rem3A_667, %select_n3A_666 : i32
        %select_n3A_677 = arith.select %and3A_675, %add3A_676, %rem3A_667 : i32
        %mul3A_678 = arith.constant 64 : i32
        %mul3A_679 = arith.muli %select_n3A_677, %mul3A_678 : i32
        %add3A_680 = arith.addi %mul3A_2, %mul3A_679 : i32
        %dma_wait3A_681 = arith.constant 0 : i32
        %dma_wait3A_682 = tpu.memref_slice %arg6[%select_n3A_661, %add3A_680, %dma_wait3A_681] : memref<50x4096x128xf32, #tpu.memory_space<hbm>> -> memref<1x64x128xf32, #tpu.memory_space<hbm>>
        %dma_wait3A_683 = tpu.memref_squeeze %dma_wait3A_682 : memref<1x64x128xf32, #tpu.memory_space<hbm>> -> memref<64x128xf32, #tpu.memory_space<hbm>>
        %dma_wait3A_684 = arith.constant 0 : i32
        %dma_wait3A_685 = tpu.memref_slice %arg6[%select_n3A_661, %add3A_680, %dma_wait3A_684] : memref<50x4096x128xf32, #tpu.memory_space<hbm>> -> memref<1x64x128xf32, #tpu.memory_space<hbm>>
        %dma_wait3A_686 = tpu.memref_squeeze %dma_wait3A_685 : memref<1x64x128xf32, #tpu.memory_space<hbm>> -> memref<64x128xf32, #tpu.memory_space<hbm>>
        tpu.wait_dma2 semaphore(%arg19 : memref<!tpu.dma_semaphore, #tpu.memory_space<semaphore_mem>>) src(%arg9 : memref<64x128xf32, #tpu.memory_space<vmem>>) dst(%dma_wait3A_686 : memref<64x128xf32, #tpu.memory_space<hbm>>)
      } else {
      }
      %add3A_309 = arith.constant 3 : i32
      %add3A_310 = arith.addi %add3A_303, %add3A_309 : i32
      %lt3A_311 = arith.constant 100 : i32
      %lt3A_312 = arith.cmpi slt, %add3A_310, %lt3A_311 : i32
      %convert_element_type3A_313 = arith.extui %lt3A_312 : i1 to i32
      %cond3A_314 = arith.constant 0 : i32
      %cond3A_315 = arith.cmpi ne, %convert_element_type3A_313, %cond3A_314 : i32
      scf.if %cond3A_315 {
        %add3A_636 = arith.constant 3 : i32
        %add3A_637 = arith.addi %add3A_303, %add3A_636 : i32
        %jit3A_638 = arith.constant 2 : i32
        %div3A_639 = arith.divsi %add3A_637, %jit3A_638 : i32
        %sign3A_640 = arith.constant 0 : i32
        %sign3A_641 = arith.cmpi sgt, %add3A_637, %sign3A_640 : i32
        %sign3A_642 = arith.extui %sign3A_641 : i1 to i32
        %sign3A_643 = arith.constant 0 : i32
        %sign3A_644 = arith.cmpi slt, %add3A_637, %sign3A_643 : i32
        %sign3A_645 = arith.extui %sign3A_644 : i1 to i32
        %sign3A_646 = arith.subi %sign3A_642, %sign3A_645 : i32
        %sign3A_647 = arith.constant 0 : i32
        %sign3A_648 = arith.cmpi sgt, %jit3A_638, %sign3A_647 : i32
        %sign3A_649 = arith.extui %sign3A_648 : i1 to i32
        %sign3A_650 = arith.constant 0 : i32
        %sign3A_651 = arith.cmpi slt, %jit3A_638, %sign3A_650 : i32
        %sign3A_652 = arith.extui %sign3A_651 : i1 to i32
        %sign3A_653 = arith.subi %sign3A_649, %sign3A_652 : i32
        %ne3A_654 = arith.cmpi ne, %sign3A_646, %sign3A_653 : i32
        %rem3A_655 = arith.remsi %add3A_637, %jit3A_638 : i32
        %ne3A_656 = arith.constant 0 : i32
        %ne3A_657 = arith.cmpi ne, %rem3A_655, %ne3A_656 : i32
        %and3A_658 = arith.andi %ne3A_654, %ne3A_657 : i1
        %sub3A_659 = arith.constant 1 : i32
        %sub3A_660 = arith.subi %div3A_639, %sub3A_659 : i32
        %select_n3A_661 = arith.select %and3A_658, %sub3A_660, %div3A_639 : i32
        %jit3A_662 = arith.constant 2 : i32
        %eq3A_663 = arith.constant 0 : i32
        %eq3A_664 = arith.cmpi eq, %jit3A_662, %eq3A_663 : i32
        %jit3A_665 = arith.constant 1 : i32
        %select_n3A_666 = arith.select %eq3A_664, %jit3A_665, %jit3A_662 : i32
        %rem3A_667 = arith.remsi %add3A_637, %select_n3A_666 : i32
        %ne3A_668 = arith.constant 0 : i32
        %ne3A_669 = arith.cmpi ne, %rem3A_667, %ne3A_668 : i32
        %lt3A_670 = arith.constant 0 : i32
        %lt3A_671 = arith.cmpi slt, %rem3A_667, %lt3A_670 : i32
        %lt3A_672 = arith.constant 0 : i32
        %lt3A_673 = arith.cmpi slt, %select_n3A_666, %lt3A_672 : i32
        %ne3A_674 = arith.xori %lt3A_671, %lt3A_673 : i1
        %and3A_675 = arith.andi %ne3A_674, %ne3A_669 : i1
        %add3A_676 = arith.addi %rem3A_667, %select_n3A_666 : i32
        %select_n3A_677 = arith.select %and3A_675, %add3A_676, %rem3A_667 : i32
        %mul3A_678 = arith.constant 64 : i32
        %mul3A_679 = arith.muli %select_n3A_677, %mul3A_678 : i32
        %dma_start3A_680 = tpu.memref_slice %arg8[%select_n3A_661, %mul3A_679] : memref<50x128xi32, #tpu.memory_space<vmem>> -> memref<1x64xi32, #tpu.memory_space<vmem>>
        %dma_start3A_681 = tpu.memref_squeeze %dma_start3A_680 : memref<1x64xi32, #tpu.memory_space<vmem>> -> memref<64xi32, #tpu.memory_space<vmem>>
        %dma_start3A_682 = arith.constant 0 : i32
        %dma_start3A_683 = arith.constant 0 : i32
        %dma_start3A_684 = tpu.memref_slice %arg2[%dma_start3A_682, %dma_start3A_683] : memref<100000x128xf32, #tpu.memory_space<hbm>> -> memref<100000x128xf32, #tpu.memory_space<hbm>>
        tpu.enqueue_indirect_dma source(%dma_start3A_684 : memref<100000x128xf32, #tpu.memory_space<hbm>>) target(%arg9 : memref<64x128xf32, #tpu.memory_space<vmem>>) offsets(%dma_start3A_681 : memref<64xi32, #tpu.memory_space<vmem>>) semaphore(%arg14 : memref<!tpu.dma_semaphore, #tpu.memory_space<semaphore_mem>>)
      } else {
      }
      %jit3A_316 = arith.constant 2 : i32
      %div3A_317 = arith.divsi %add3A_303, %jit3A_316 : i32
      %sign3A_318 = arith.constant 0 : i32
      %sign3A_319 = arith.cmpi sgt, %add3A_303, %sign3A_318 : i32
      %sign3A_320 = arith.extui %sign3A_319 : i1 to i32
      %sign3A_321 = arith.constant 0 : i32
      %sign3A_322 = arith.cmpi slt, %add3A_303, %sign3A_321 : i32
      %sign3A_323 = arith.extui %sign3A_322 : i1 to i32
      %sign3A_324 = arith.subi %sign3A_320, %sign3A_323 : i32
      %sign3A_325 = arith.constant 0 : i32
      %sign3A_326 = arith.cmpi sgt, %jit3A_316, %sign3A_325 : i32
      %sign3A_327 = arith.extui %sign3A_326 : i1 to i32
      %sign3A_328 = arith.constant 0 : i32
      %sign3A_329 = arith.cmpi slt, %jit3A_316, %sign3A_328 : i32
      %sign3A_330 = arith.extui %sign3A_329 : i1 to i32
      %sign3A_331 = arith.subi %sign3A_327, %sign3A_330 : i32
      %ne3A_332 = arith.cmpi ne, %sign3A_324, %sign3A_331 : i32
      %rem3A_333 = arith.remsi %add3A_303, %jit3A_316 : i32
      %ne3A_334 = arith.constant 0 : i32
      %ne3A_335 = arith.cmpi ne, %rem3A_333, %ne3A_334 : i32
      %and3A_336 = arith.andi %ne3A_332, %ne3A_335 : i1
      %sub3A_337 = arith.constant 1 : i32
      %sub3A_338 = arith.subi %div3A_317, %sub3A_337 : i32
      %select_n3A_339 = arith.select %and3A_336, %sub3A_338, %div3A_317 : i32
      %jit3A_340 = arith.constant 2 : i32
      %eq3A_341 = arith.constant 0 : i32
      %eq3A_342 = arith.cmpi eq, %jit3A_340, %eq3A_341 : i32
      %jit3A_343 = arith.constant 1 : i32
      %select_n3A_344 = arith.select %eq3A_342, %jit3A_343, %jit3A_340 : i32
      %rem3A_345 = arith.remsi %add3A_303, %select_n3A_344 : i32
      %ne3A_346 = arith.constant 0 : i32
      %ne3A_347 = arith.cmpi ne, %rem3A_345, %ne3A_346 : i32
      %lt3A_348 = arith.constant 0 : i32
      %lt3A_349 = arith.cmpi slt, %rem3A_345, %lt3A_348 : i32
      %lt3A_350 = arith.constant 0 : i32
      %lt3A_351 = arith.cmpi slt, %select_n3A_344, %lt3A_350 : i32
      %ne3A_352 = arith.xori %lt3A_349, %lt3A_351 : i1
      %and3A_353 = arith.andi %ne3A_352, %ne3A_347 : i1
      %add3A_354 = arith.addi %rem3A_345, %select_n3A_344 : i32
      %select_n3A_355 = arith.select %and3A_353, %add3A_354, %rem3A_345 : i32
      %mul3A_356 = arith.constant 64 : i32
      %mul3A_357 = arith.muli %select_n3A_355, %mul3A_356 : i32
      %dma_wait3A_358 = tpu.memref_slice %arg8[%select_n3A_339, %mul3A_357] : memref<50x128xi32, #tpu.memory_space<vmem>> -> memref<1x64xi32, #tpu.memory_space<vmem>>
      %dma_wait3A_359 = tpu.memref_squeeze %dma_wait3A_358 : memref<1x64xi32, #tpu.memory_space<vmem>> -> memref<64xi32, #tpu.memory_space<vmem>>
      %dma_wait3A_360 = arith.constant 0 : i32
      %dma_wait3A_361 = arith.constant 0 : i32
      %dma_wait3A_362 = tpu.memref_slice %arg2[%dma_wait3A_360, %dma_wait3A_361] : memref<100000x128xf32, #tpu.memory_space<hbm>> -> memref<100000x128xf32, #tpu.memory_space<hbm>>
      tpu.wait_indirect_dma semaphore(%arg16 : memref<!tpu.dma_semaphore, #tpu.memory_space<semaphore_mem>>) src(%dma_wait3A_362 : memref<100000x128xf32, #tpu.memory_space<hbm>>) dst(%arg11 : memref<64x128xf32, #tpu.memory_space<vmem>>)
      %jit3A_363 = arith.constant 2 : i32
      %div3A_364 = arith.divsi %add3A_303, %jit3A_363 : i32
      %sign3A_365 = arith.constant 0 : i32
      %sign3A_366 = arith.cmpi sgt, %add3A_303, %sign3A_365 : i32
      %sign3A_367 = arith.extui %sign3A_366 : i1 to i32
      %sign3A_368 = arith.constant 0 : i32
      %sign3A_369 = arith.cmpi slt, %add3A_303, %sign3A_368 : i32
      %sign3A_370 = arith.extui %sign3A_369 : i1 to i32
      %sign3A_371 = arith.subi %sign3A_367, %sign3A_370 : i32
      %sign3A_372 = arith.constant 0 : i32
      %sign3A_373 = arith.cmpi sgt, %jit3A_363, %sign3A_372 : i32
      %sign3A_374 = arith.extui %sign3A_373 : i1 to i32
      %sign3A_375 = arith.constant 0 : i32
      %sign3A_376 = arith.cmpi slt, %jit3A_363, %sign3A_375 : i32
      %sign3A_377 = arith.extui %sign3A_376 : i1 to i32
      %sign3A_378 = arith.subi %sign3A_374, %sign3A_377 : i32
      %ne3A_379 = arith.cmpi ne, %sign3A_371, %sign3A_378 : i32
      %rem3A_380 = arith.remsi %add3A_303, %jit3A_363 : i32
      %ne3A_381 = arith.constant 0 : i32
      %ne3A_382 = arith.cmpi ne, %rem3A_380, %ne3A_381 : i32
      %and3A_383 = arith.andi %ne3A_379, %ne3A_382 : i1
      %sub3A_384 = arith.constant 1 : i32
      %sub3A_385 = arith.subi %div3A_364, %sub3A_384 : i32
      %select_n3A_386 = arith.select %and3A_383, %sub3A_385, %div3A_364 : i32
      %jit3A_387 = arith.constant 2 : i32
      %eq3A_388 = arith.constant 0 : i32
      %eq3A_389 = arith.cmpi eq, %jit3A_387, %eq3A_388 : i32
      %jit3A_390 = arith.constant 1 : i32
      %select_n3A_391 = arith.select %eq3A_389, %jit3A_390, %jit3A_387 : i32
      %rem3A_392 = arith.remsi %add3A_303, %select_n3A_391 : i32
      %ne3A_393 = arith.constant 0 : i32
      %ne3A_394 = arith.cmpi ne, %rem3A_392, %ne3A_393 : i32
      %lt3A_395 = arith.constant 0 : i32
      %lt3A_396 = arith.cmpi slt, %rem3A_392, %lt3A_395 : i32
      %lt3A_397 = arith.constant 0 : i32
      %lt3A_398 = arith.cmpi slt, %select_n3A_391, %lt3A_397 : i32
      %ne3A_399 = arith.xori %lt3A_396, %lt3A_398 : i1
      %and3A_400 = arith.andi %ne3A_399, %ne3A_394 : i1
      %add3A_401 = arith.addi %rem3A_392, %select_n3A_391 : i32
      %select_n3A_402 = arith.select %and3A_400, %add3A_401, %rem3A_392 : i32
      %mul3A_403 = arith.constant 64 : i32
      %mul3A_404 = arith.muli %select_n3A_402, %mul3A_403 : i32
      %add3A_405 = arith.addi %mul3A_2, %mul3A_404 : i32
      %dma_start3A_406 = arith.constant 0 : i32
      %dma_start3A_407 = tpu.memref_slice %arg6[%select_n3A_386, %add3A_405, %dma_start3A_406] : memref<50x4096x128xf32, #tpu.memory_space<hbm>> -> memref<1x64x128xf32, #tpu.memory_space<hbm>>
      %dma_start3A_408 = tpu.memref_squeeze %dma_start3A_407 : memref<1x64x128xf32, #tpu.memory_space<hbm>> -> memref<64x128xf32, #tpu.memory_space<hbm>>
      %dma_start3A_409 = arith.constant 0 : i32
      %dma_start3A_410 = tpu.memref_slice %arg6[%select_n3A_386, %add3A_405, %dma_start3A_409] : memref<50x4096x128xf32, #tpu.memory_space<hbm>> -> memref<1x64x128xf32, #tpu.memory_space<hbm>>
      %dma_start3A_411 = tpu.memref_squeeze %dma_start3A_410 : memref<1x64x128xf32, #tpu.memory_space<hbm>> -> memref<64x128xf32, #tpu.memory_space<hbm>>
      tpu.enqueue_dma source(%arg11 : memref<64x128xf32, #tpu.memory_space<vmem>>) target(%dma_start3A_411 : memref<64x128xf32, #tpu.memory_space<hbm>>) target_semaphore(%arg21 : memref<!tpu.dma_semaphore, #tpu.memory_space<semaphore_mem>>)
      %mul3A_412 = arith.constant 5 : i32
      %mul3A_413 = arith.muli %scan3A_88, %mul3A_412 : i32
      %add3A_414 = arith.constant 3 : i32
      %add3A_415 = arith.addi %mul3A_413, %add3A_414 : i32
      %ge3A_416 = arith.constant 2 : i32
      %ge3A_417 = arith.cmpi sge, %add3A_415, %ge3A_416 : i32
      %convert_element_type3A_418 = arith.extui %ge3A_417 : i1 to i32
      %cond3A_419 = arith.constant 0 : i32
      %cond3A_420 = arith.cmpi ne, %convert_element_type3A_418, %cond3A_419 : i32
      scf.if %cond3A_420 {
        %sub3A_636 = arith.constant 2 : i32
        %sub3A_637 = arith.subi %add3A_415, %sub3A_636 : i32
        %jit3A_638 = arith.constant 2 : i32
        %div3A_639 = arith.divsi %sub3A_637, %jit3A_638 : i32
        %sign3A_640 = arith.constant 0 : i32
        %sign3A_641 = arith.cmpi sgt, %sub3A_637, %sign3A_640 : i32
        %sign3A_642 = arith.extui %sign3A_641 : i1 to i32
        %sign3A_643 = arith.constant 0 : i32
        %sign3A_644 = arith.cmpi slt, %sub3A_637, %sign3A_643 : i32
        %sign3A_645 = arith.extui %sign3A_644 : i1 to i32
        %sign3A_646 = arith.subi %sign3A_642, %sign3A_645 : i32
        %sign3A_647 = arith.constant 0 : i32
        %sign3A_648 = arith.cmpi sgt, %jit3A_638, %sign3A_647 : i32
        %sign3A_649 = arith.extui %sign3A_648 : i1 to i32
        %sign3A_650 = arith.constant 0 : i32
        %sign3A_651 = arith.cmpi slt, %jit3A_638, %sign3A_650 : i32
        %sign3A_652 = arith.extui %sign3A_651 : i1 to i32
        %sign3A_653 = arith.subi %sign3A_649, %sign3A_652 : i32
        %ne3A_654 = arith.cmpi ne, %sign3A_646, %sign3A_653 : i32
        %rem3A_655 = arith.remsi %sub3A_637, %jit3A_638 : i32
        %ne3A_656 = arith.constant 0 : i32
        %ne3A_657 = arith.cmpi ne, %rem3A_655, %ne3A_656 : i32
        %and3A_658 = arith.andi %ne3A_654, %ne3A_657 : i1
        %sub3A_659 = arith.constant 1 : i32
        %sub3A_660 = arith.subi %div3A_639, %sub3A_659 : i32
        %select_n3A_661 = arith.select %and3A_658, %sub3A_660, %div3A_639 : i32
        %jit3A_662 = arith.constant 2 : i32
        %eq3A_663 = arith.constant 0 : i32
        %eq3A_664 = arith.cmpi eq, %jit3A_662, %eq3A_663 : i32
        %jit3A_665 = arith.constant 1 : i32
        %select_n3A_666 = arith.select %eq3A_664, %jit3A_665, %jit3A_662 : i32
        %rem3A_667 = arith.remsi %sub3A_637, %select_n3A_666 : i32
        %ne3A_668 = arith.constant 0 : i32
        %ne3A_669 = arith.cmpi ne, %rem3A_667, %ne3A_668 : i32
        %lt3A_670 = arith.constant 0 : i32
        %lt3A_671 = arith.cmpi slt, %rem3A_667, %lt3A_670 : i32
        %lt3A_672 = arith.constant 0 : i32
        %lt3A_673 = arith.cmpi slt, %select_n3A_666, %lt3A_672 : i32
        %ne3A_674 = arith.xori %lt3A_671, %lt3A_673 : i1
        %and3A_675 = arith.andi %ne3A_674, %ne3A_669 : i1
        %add3A_676 = arith.addi %rem3A_667, %select_n3A_666 : i32
        %select_n3A_677 = arith.select %and3A_675, %add3A_676, %rem3A_667 : i32
        %mul3A_678 = arith.constant 64 : i32
        %mul3A_679 = arith.muli %select_n3A_677, %mul3A_678 : i32
        %add3A_680 = arith.addi %mul3A_2, %mul3A_679 : i32
        %dma_wait3A_681 = arith.constant 0 : i32
        %dma_wait3A_682 = tpu.memref_slice %arg6[%select_n3A_661, %add3A_680, %dma_wait3A_681] : memref<50x4096x128xf32, #tpu.memory_space<hbm>> -> memref<1x64x128xf32, #tpu.memory_space<hbm>>
        %dma_wait3A_683 = tpu.memref_squeeze %dma_wait3A_682 : memref<1x64x128xf32, #tpu.memory_space<hbm>> -> memref<64x128xf32, #tpu.memory_space<hbm>>
        %dma_wait3A_684 = arith.constant 0 : i32
        %dma_wait3A_685 = tpu.memref_slice %arg6[%select_n3A_661, %add3A_680, %dma_wait3A_684] : memref<50x4096x128xf32, #tpu.memory_space<hbm>> -> memref<1x64x128xf32, #tpu.memory_space<hbm>>
        %dma_wait3A_686 = tpu.memref_squeeze %dma_wait3A_685 : memref<1x64x128xf32, #tpu.memory_space<hbm>> -> memref<64x128xf32, #tpu.memory_space<hbm>>
        tpu.wait_dma2 semaphore(%arg20 : memref<!tpu.dma_semaphore, #tpu.memory_space<semaphore_mem>>) src(%arg10 : memref<64x128xf32, #tpu.memory_space<vmem>>) dst(%dma_wait3A_686 : memref<64x128xf32, #tpu.memory_space<hbm>>)
      } else {
      }
      %add3A_421 = arith.constant 3 : i32
      %add3A_422 = arith.addi %add3A_415, %add3A_421 : i32
      %lt3A_423 = arith.constant 100 : i32
      %lt3A_424 = arith.cmpi slt, %add3A_422, %lt3A_423 : i32
      %convert_element_type3A_425 = arith.extui %lt3A_424 : i1 to i32
      %cond3A_426 = arith.constant 0 : i32
      %cond3A_427 = arith.cmpi ne, %convert_element_type3A_425, %cond3A_426 : i32
      scf.if %cond3A_427 {
        %add3A_636 = arith.constant 3 : i32
        %add3A_637 = arith.addi %add3A_415, %add3A_636 : i32
        %jit3A_638 = arith.constant 2 : i32
        %div3A_639 = arith.divsi %add3A_637, %jit3A_638 : i32
        %sign3A_640 = arith.constant 0 : i32
        %sign3A_641 = arith.cmpi sgt, %add3A_637, %sign3A_640 : i32
        %sign3A_642 = arith.extui %sign3A_641 : i1 to i32
        %sign3A_643 = arith.constant 0 : i32
        %sign3A_644 = arith.cmpi slt, %add3A_637, %sign3A_643 : i32
        %sign3A_645 = arith.extui %sign3A_644 : i1 to i32
        %sign3A_646 = arith.subi %sign3A_642, %sign3A_645 : i32
        %sign3A_647 = arith.constant 0 : i32
        %sign3A_648 = arith.cmpi sgt, %jit3A_638, %sign3A_647 : i32
        %sign3A_649 = arith.extui %sign3A_648 : i1 to i32
        %sign3A_650 = arith.constant 0 : i32
        %sign3A_651 = arith.cmpi slt, %jit3A_638, %sign3A_650 : i32
        %sign3A_652 = arith.extui %sign3A_651 : i1 to i32
        %sign3A_653 = arith.subi %sign3A_649, %sign3A_652 : i32
        %ne3A_654 = arith.cmpi ne, %sign3A_646, %sign3A_653 : i32
        %rem3A_655 = arith.remsi %add3A_637, %jit3A_638 : i32
        %ne3A_656 = arith.constant 0 : i32
        %ne3A_657 = arith.cmpi ne, %rem3A_655, %ne3A_656 : i32
        %and3A_658 = arith.andi %ne3A_654, %ne3A_657 : i1
        %sub3A_659 = arith.constant 1 : i32
        %sub3A_660 = arith.subi %div3A_639, %sub3A_659 : i32
        %select_n3A_661 = arith.select %and3A_658, %sub3A_660, %div3A_639 : i32
        %jit3A_662 = arith.constant 2 : i32
        %eq3A_663 = arith.constant 0 : i32
        %eq3A_664 = arith.cmpi eq, %jit3A_662, %eq3A_663 : i32
        %jit3A_665 = arith.constant 1 : i32
        %select_n3A_666 = arith.select %eq3A_664, %jit3A_665, %jit3A_662 : i32
        %rem3A_667 = arith.remsi %add3A_637, %select_n3A_666 : i32
        %ne3A_668 = arith.constant 0 : i32
        %ne3A_669 = arith.cmpi ne, %rem3A_667, %ne3A_668 : i32
        %lt3A_670 = arith.constant 0 : i32
        %lt3A_671 = arith.cmpi slt, %rem3A_667, %lt3A_670 : i32
        %lt3A_672 = arith.constant 0 : i32
        %lt3A_673 = arith.cmpi slt, %select_n3A_666, %lt3A_672 : i32
        %ne3A_674 = arith.xori %lt3A_671, %lt3A_673 : i1
        %and3A_675 = arith.andi %ne3A_674, %ne3A_669 : i1
        %add3A_676 = arith.addi %rem3A_667, %select_n3A_666 : i32
        %select_n3A_677 = arith.select %and3A_675, %add3A_676, %rem3A_667 : i32
        %mul3A_678 = arith.constant 64 : i32
        %mul3A_679 = arith.muli %select_n3A_677, %mul3A_678 : i32
        %dma_start3A_680 = tpu.memref_slice %arg8[%select_n3A_661, %mul3A_679] : memref<50x128xi32, #tpu.memory_space<vmem>> -> memref<1x64xi32, #tpu.memory_space<vmem>>
        %dma_start3A_681 = tpu.memref_squeeze %dma_start3A_680 : memref<1x64xi32, #tpu.memory_space<vmem>> -> memref<64xi32, #tpu.memory_space<vmem>>
        %dma_start3A_682 = arith.constant 0 : i32
        %dma_start3A_683 = arith.constant 0 : i32
        %dma_start3A_684 = tpu.memref_slice %arg2[%dma_start3A_682, %dma_start3A_683] : memref<100000x128xf32, #tpu.memory_space<hbm>> -> memref<100000x128xf32, #tpu.memory_space<hbm>>
        tpu.enqueue_indirect_dma source(%dma_start3A_684 : memref<100000x128xf32, #tpu.memory_space<hbm>>) target(%arg10 : memref<64x128xf32, #tpu.memory_space<vmem>>) offsets(%dma_start3A_681 : memref<64xi32, #tpu.memory_space<vmem>>) semaphore(%arg15 : memref<!tpu.dma_semaphore, #tpu.memory_space<semaphore_mem>>)
      } else {
      }
      %jit3A_428 = arith.constant 2 : i32
      %div3A_429 = arith.divsi %add3A_415, %jit3A_428 : i32
      %sign3A_430 = arith.constant 0 : i32
      %sign3A_431 = arith.cmpi sgt, %add3A_415, %sign3A_430 : i32
      %sign3A_432 = arith.extui %sign3A_431 : i1 to i32
      %sign3A_433 = arith.constant 0 : i32
      %sign3A_434 = arith.cmpi slt, %add3A_415, %sign3A_433 : i32
      %sign3A_435 = arith.extui %sign3A_434 : i1 to i32
      %sign3A_436 = arith.subi %sign3A_432, %sign3A_435 : i32
      %sign3A_437 = arith.constant 0 : i32
      %sign3A_438 = arith.cmpi sgt, %jit3A_428, %sign3A_437 : i32
      %sign3A_439 = arith.extui %sign3A_438 : i1 to i32
      %sign3A_440 = arith.constant 0 : i32
      %sign3A_441 = arith.cmpi slt, %jit3A_428, %sign3A_440 : i32
      %sign3A_442 = arith.extui %sign3A_441 : i1 to i32
      %sign3A_443 = arith.subi %sign3A_439, %sign3A_442 : i32
      %ne3A_444 = arith.cmpi ne, %sign3A_436, %sign3A_443 : i32
      %rem3A_445 = arith.remsi %add3A_415, %jit3A_428 : i32
      %ne3A_446 = arith.constant 0 : i32
      %ne3A_447 = arith.cmpi ne, %rem3A_445, %ne3A_446 : i32
      %and3A_448 = arith.andi %ne3A_444, %ne3A_447 : i1
      %sub3A_449 = arith.constant 1 : i32
      %sub3A_450 = arith.subi %div3A_429, %sub3A_449 : i32
      %select_n3A_451 = arith.select %and3A_448, %sub3A_450, %div3A_429 : i32
      %jit3A_452 = arith.constant 2 : i32
      %eq3A_453 = arith.constant 0 : i32
      %eq3A_454 = arith.cmpi eq, %jit3A_452, %eq3A_453 : i32
      %jit3A_455 = arith.constant 1 : i32
      %select_n3A_456 = arith.select %eq3A_454, %jit3A_455, %jit3A_452 : i32
      %rem3A_457 = arith.remsi %add3A_415, %select_n3A_456 : i32
      %ne3A_458 = arith.constant 0 : i32
      %ne3A_459 = arith.cmpi ne, %rem3A_457, %ne3A_458 : i32
      %lt3A_460 = arith.constant 0 : i32
      %lt3A_461 = arith.cmpi slt, %rem3A_457, %lt3A_460 : i32
      %lt3A_462 = arith.constant 0 : i32
      %lt3A_463 = arith.cmpi slt, %select_n3A_456, %lt3A_462 : i32
      %ne3A_464 = arith.xori %lt3A_461, %lt3A_463 : i1
      %and3A_465 = arith.andi %ne3A_464, %ne3A_459 : i1
      %add3A_466 = arith.addi %rem3A_457, %select_n3A_456 : i32
      %select_n3A_467 = arith.select %and3A_465, %add3A_466, %rem3A_457 : i32
      %mul3A_468 = arith.constant 64 : i32
      %mul3A_469 = arith.muli %select_n3A_467, %mul3A_468 : i32
      %dma_wait3A_470 = tpu.memref_slice %arg8[%select_n3A_451, %mul3A_469] : memref<50x128xi32, #tpu.memory_space<vmem>> -> memref<1x64xi32, #tpu.memory_space<vmem>>
      %dma_wait3A_471 = tpu.memref_squeeze %dma_wait3A_470 : memref<1x64xi32, #tpu.memory_space<vmem>> -> memref<64xi32, #tpu.memory_space<vmem>>
      %dma_wait3A_472 = arith.constant 0 : i32
      %dma_wait3A_473 = arith.constant 0 : i32
      %dma_wait3A_474 = tpu.memref_slice %arg2[%dma_wait3A_472, %dma_wait3A_473] : memref<100000x128xf32, #tpu.memory_space<hbm>> -> memref<100000x128xf32, #tpu.memory_space<hbm>>
      tpu.wait_indirect_dma semaphore(%arg17 : memref<!tpu.dma_semaphore, #tpu.memory_space<semaphore_mem>>) src(%dma_wait3A_474 : memref<100000x128xf32, #tpu.memory_space<hbm>>) dst(%arg12 : memref<64x128xf32, #tpu.memory_space<vmem>>)
      %jit3A_475 = arith.constant 2 : i32
      %div3A_476 = arith.divsi %add3A_415, %jit3A_475 : i32
      %sign3A_477 = arith.constant 0 : i32
      %sign3A_478 = arith.cmpi sgt, %add3A_415, %sign3A_477 : i32
      %sign3A_479 = arith.extui %sign3A_478 : i1 to i32
      %sign3A_480 = arith.constant 0 : i32
      %sign3A_481 = arith.cmpi slt, %add3A_415, %sign3A_480 : i32
      %sign3A_482 = arith.extui %sign3A_481 : i1 to i32
      %sign3A_483 = arith.subi %sign3A_479, %sign3A_482 : i32
      %sign3A_484 = arith.constant 0 : i32
      %sign3A_485 = arith.cmpi sgt, %jit3A_475, %sign3A_484 : i32
      %sign3A_486 = arith.extui %sign3A_485 : i1 to i32
      %sign3A_487 = arith.constant 0 : i32
      %sign3A_488 = arith.cmpi slt, %jit3A_475, %sign3A_487 : i32
      %sign3A_489 = arith.extui %sign3A_488 : i1 to i32
      %sign3A_490 = arith.subi %sign3A_486, %sign3A_489 : i32
      %ne3A_491 = arith.cmpi ne, %sign3A_483, %sign3A_490 : i32
      %rem3A_492 = arith.remsi %add3A_415, %jit3A_475 : i32
      %ne3A_493 = arith.constant 0 : i32
      %ne3A_494 = arith.cmpi ne, %rem3A_492, %ne3A_493 : i32
      %and3A_495 = arith.andi %ne3A_491, %ne3A_494 : i1
      %sub3A_496 = arith.constant 1 : i32
      %sub3A_497 = arith.subi %div3A_476, %sub3A_496 : i32
      %select_n3A_498 = arith.select %and3A_495, %sub3A_497, %div3A_476 : i32
      %jit3A_499 = arith.constant 2 : i32
      %eq3A_500 = arith.constant 0 : i32
      %eq3A_501 = arith.cmpi eq, %jit3A_499, %eq3A_500 : i32
      %jit3A_502 = arith.constant 1 : i32
      %select_n3A_503 = arith.select %eq3A_501, %jit3A_502, %jit3A_499 : i32
      %rem3A_504 = arith.remsi %add3A_415, %select_n3A_503 : i32
      %ne3A_505 = arith.constant 0 : i32
      %ne3A_506 = arith.cmpi ne, %rem3A_504, %ne3A_505 : i32
      %lt3A_507 = arith.constant 0 : i32
      %lt3A_508 = arith.cmpi slt, %rem3A_504, %lt3A_507 : i32
      %lt3A_509 = arith.constant 0 : i32
      %lt3A_510 = arith.cmpi slt, %select_n3A_503, %lt3A_509 : i32
      %ne3A_511 = arith.xori %lt3A_508, %lt3A_510 : i1
      %and3A_512 = arith.andi %ne3A_511, %ne3A_506 : i1
      %add3A_513 = arith.addi %rem3A_504, %select_n3A_503 : i32
      %select_n3A_514 = arith.select %and3A_512, %add3A_513, %rem3A_504 : i32
      %mul3A_515 = arith.constant 64 : i32
      %mul3A_516 = arith.muli %select_n3A_514, %mul3A_515 : i32
      %add3A_517 = arith.addi %mul3A_2, %mul3A_516 : i32
      %dma_start3A_518 = arith.constant 0 : i32
      %dma_start3A_519 = tpu.memref_slice %arg6[%select_n3A_498, %add3A_517, %dma_start3A_518] : memref<50x4096x128xf32, #tpu.memory_space<hbm>> -> memref<1x64x128xf32, #tpu.memory_space<hbm>>
      %dma_start3A_520 = tpu.memref_squeeze %dma_start3A_519 : memref<1x64x128xf32, #tpu.memory_space<hbm>> -> memref<64x128xf32, #tpu.memory_space<hbm>>
      %dma_start3A_521 = arith.constant 0 : i32
      %dma_start3A_522 = tpu.memref_slice %arg6[%select_n3A_498, %add3A_517, %dma_start3A_521] : memref<50x4096x128xf32, #tpu.memory_space<hbm>> -> memref<1x64x128xf32, #tpu.memory_space<hbm>>
      %dma_start3A_523 = tpu.memref_squeeze %dma_start3A_522 : memref<1x64x128xf32, #tpu.memory_space<hbm>> -> memref<64x128xf32, #tpu.memory_space<hbm>>
      tpu.enqueue_dma source(%arg12 : memref<64x128xf32, #tpu.memory_space<vmem>>) target(%dma_start3A_523 : memref<64x128xf32, #tpu.memory_space<hbm>>) target_semaphore(%arg22 : memref<!tpu.dma_semaphore, #tpu.memory_space<semaphore_mem>>)
      %mul3A_524 = arith.constant 5 : i32
      %mul3A_525 = arith.muli %scan3A_88, %mul3A_524 : i32
      %add3A_526 = arith.constant 4 : i32
      %add3A_527 = arith.addi %mul3A_525, %add3A_526 : i32
      %ge3A_528 = arith.constant 2 : i32
      %ge3A_529 = arith.cmpi sge, %add3A_527, %ge3A_528 : i32
      %convert_element_type3A_530 = arith.extui %ge3A_529 : i1 to i32
      %cond3A_531 = arith.constant 0 : i32
      %cond3A_532 = arith.cmpi ne, %convert_element_type3A_530, %cond3A_531 : i32
      scf.if %cond3A_532 {
        %sub3A_636 = arith.constant 2 : i32
        %sub3A_637 = arith.subi %add3A_527, %sub3A_636 : i32
        %jit3A_638 = arith.constant 2 : i32
        %div3A_639 = arith.divsi %sub3A_637, %jit3A_638 : i32
        %sign3A_640 = arith.constant 0 : i32
        %sign3A_641 = arith.cmpi sgt, %sub3A_637, %sign3A_640 : i32
        %sign3A_642 = arith.extui %sign3A_641 : i1 to i32
        %sign3A_643 = arith.constant 0 : i32
        %sign3A_644 = arith.cmpi slt, %sub3A_637, %sign3A_643 : i32
        %sign3A_645 = arith.extui %sign3A_644 : i1 to i32
        %sign3A_646 = arith.subi %sign3A_642, %sign3A_645 : i32
        %sign3A_647 = arith.constant 0 : i32
        %sign3A_648 = arith.cmpi sgt, %jit3A_638, %sign3A_647 : i32
        %sign3A_649 = arith.extui %sign3A_648 : i1 to i32
        %sign3A_650 = arith.constant 0 : i32
        %sign3A_651 = arith.cmpi slt, %jit3A_638, %sign3A_650 : i32
        %sign3A_652 = arith.extui %sign3A_651 : i1 to i32
        %sign3A_653 = arith.subi %sign3A_649, %sign3A_652 : i32
        %ne3A_654 = arith.cmpi ne, %sign3A_646, %sign3A_653 : i32
        %rem3A_655 = arith.remsi %sub3A_637, %jit3A_638 : i32
        %ne3A_656 = arith.constant 0 : i32
        %ne3A_657 = arith.cmpi ne, %rem3A_655, %ne3A_656 : i32
        %and3A_658 = arith.andi %ne3A_654, %ne3A_657 : i1
        %sub3A_659 = arith.constant 1 : i32
        %sub3A_660 = arith.subi %div3A_639, %sub3A_659 : i32
        %select_n3A_661 = arith.select %and3A_658, %sub3A_660, %div3A_639 : i32
        %jit3A_662 = arith.constant 2 : i32
        %eq3A_663 = arith.constant 0 : i32
        %eq3A_664 = arith.cmpi eq, %jit3A_662, %eq3A_663 : i32
        %jit3A_665 = arith.constant 1 : i32
        %select_n3A_666 = arith.select %eq3A_664, %jit3A_665, %jit3A_662 : i32
        %rem3A_667 = arith.remsi %sub3A_637, %select_n3A_666 : i32
        %ne3A_668 = arith.constant 0 : i32
        %ne3A_669 = arith.cmpi ne, %rem3A_667, %ne3A_668 : i32
        %lt3A_670 = arith.constant 0 : i32
        %lt3A_671 = arith.cmpi slt, %rem3A_667, %lt3A_670 : i32
        %lt3A_672 = arith.constant 0 : i32
        %lt3A_673 = arith.cmpi slt, %select_n3A_666, %lt3A_672 : i32
        %ne3A_674 = arith.xori %lt3A_671, %lt3A_673 : i1
        %and3A_675 = arith.andi %ne3A_674, %ne3A_669 : i1
        %add3A_676 = arith.addi %rem3A_667, %select_n3A_666 : i32
        %select_n3A_677 = arith.select %and3A_675, %add3A_676, %rem3A_667 : i32
        %mul3A_678 = arith.constant 64 : i32
        %mul3A_679 = arith.muli %select_n3A_677, %mul3A_678 : i32
        %add3A_680 = arith.addi %mul3A_2, %mul3A_679 : i32
        %dma_wait3A_681 = arith.constant 0 : i32
        %dma_wait3A_682 = tpu.memref_slice %arg6[%select_n3A_661, %add3A_680, %dma_wait3A_681] : memref<50x4096x128xf32, #tpu.memory_space<hbm>> -> memref<1x64x128xf32, #tpu.memory_space<hbm>>
        %dma_wait3A_683 = tpu.memref_squeeze %dma_wait3A_682 : memref<1x64x128xf32, #tpu.memory_space<hbm>> -> memref<64x128xf32, #tpu.memory_space<hbm>>
        %dma_wait3A_684 = arith.constant 0 : i32
        %dma_wait3A_685 = tpu.memref_slice %arg6[%select_n3A_661, %add3A_680, %dma_wait3A_684] : memref<50x4096x128xf32, #tpu.memory_space<hbm>> -> memref<1x64x128xf32, #tpu.memory_space<hbm>>
        %dma_wait3A_686 = tpu.memref_squeeze %dma_wait3A_685 : memref<1x64x128xf32, #tpu.memory_space<hbm>> -> memref<64x128xf32, #tpu.memory_space<hbm>>
        tpu.wait_dma2 semaphore(%arg21 : memref<!tpu.dma_semaphore, #tpu.memory_space<semaphore_mem>>) src(%arg11 : memref<64x128xf32, #tpu.memory_space<vmem>>) dst(%dma_wait3A_686 : memref<64x128xf32, #tpu.memory_space<hbm>>)
      } else {
      }
      %add3A_533 = arith.constant 3 : i32
      %add3A_534 = arith.addi %add3A_527, %add3A_533 : i32
      %lt3A_535 = arith.constant 100 : i32
      %lt3A_536 = arith.cmpi slt, %add3A_534, %lt3A_535 : i32
      %convert_element_type3A_537 = arith.extui %lt3A_536 : i1 to i32
      %cond3A_538 = arith.constant 0 : i32
      %cond3A_539 = arith.cmpi ne, %convert_element_type3A_537, %cond3A_538 : i32
      scf.if %cond3A_539 {
        %add3A_636 = arith.constant 3 : i32
        %add3A_637 = arith.addi %add3A_527, %add3A_636 : i32
        %jit3A_638 = arith.constant 2 : i32
        %div3A_639 = arith.divsi %add3A_637, %jit3A_638 : i32
        %sign3A_640 = arith.constant 0 : i32
        %sign3A_641 = arith.cmpi sgt, %add3A_637, %sign3A_640 : i32
        %sign3A_642 = arith.extui %sign3A_641 : i1 to i32
        %sign3A_643 = arith.constant 0 : i32
        %sign3A_644 = arith.cmpi slt, %add3A_637, %sign3A_643 : i32
        %sign3A_645 = arith.extui %sign3A_644 : i1 to i32
        %sign3A_646 = arith.subi %sign3A_642, %sign3A_645 : i32
        %sign3A_647 = arith.constant 0 : i32
        %sign3A_648 = arith.cmpi sgt, %jit3A_638, %sign3A_647 : i32
        %sign3A_649 = arith.extui %sign3A_648 : i1 to i32
        %sign3A_650 = arith.constant 0 : i32
        %sign3A_651 = arith.cmpi slt, %jit3A_638, %sign3A_650 : i32
        %sign3A_652 = arith.extui %sign3A_651 : i1 to i32
        %sign3A_653 = arith.subi %sign3A_649, %sign3A_652 : i32
        %ne3A_654 = arith.cmpi ne, %sign3A_646, %sign3A_653 : i32
        %rem3A_655 = arith.remsi %add3A_637, %jit3A_638 : i32
        %ne3A_656 = arith.constant 0 : i32
        %ne3A_657 = arith.cmpi ne, %rem3A_655, %ne3A_656 : i32
        %and3A_658 = arith.andi %ne3A_654, %ne3A_657 : i1
        %sub3A_659 = arith.constant 1 : i32
        %sub3A_660 = arith.subi %div3A_639, %sub3A_659 : i32
        %select_n3A_661 = arith.select %and3A_658, %sub3A_660, %div3A_639 : i32
        %jit3A_662 = arith.constant 2 : i32
        %eq3A_663 = arith.constant 0 : i32
        %eq3A_664 = arith.cmpi eq, %jit3A_662, %eq3A_663 : i32
        %jit3A_665 = arith.constant 1 : i32
        %select_n3A_666 = arith.select %eq3A_664, %jit3A_665, %jit3A_662 : i32
        %rem3A_667 = arith.remsi %add3A_637, %select_n3A_666 : i32
        %ne3A_668 = arith.constant 0 : i32
        %ne3A_669 = arith.cmpi ne, %rem3A_667, %ne3A_668 : i32
        %lt3A_670 = arith.constant 0 : i32
        %lt3A_671 = arith.cmpi slt, %rem3A_667, %lt3A_670 : i32
        %lt3A_672 = arith.constant 0 : i32
        %lt3A_673 = arith.cmpi slt, %select_n3A_666, %lt3A_672 : i32
        %ne3A_674 = arith.xori %lt3A_671, %lt3A_673 : i1
        %and3A_675 = arith.andi %ne3A_674, %ne3A_669 : i1
        %add3A_676 = arith.addi %rem3A_667, %select_n3A_666 : i32
        %select_n3A_677 = arith.select %and3A_675, %add3A_676, %rem3A_667 : i32
        %mul3A_678 = arith.constant 64 : i32
        %mul3A_679 = arith.muli %select_n3A_677, %mul3A_678 : i32
        %dma_start3A_680 = tpu.memref_slice %arg8[%select_n3A_661, %mul3A_679] : memref<50x128xi32, #tpu.memory_space<vmem>> -> memref<1x64xi32, #tpu.memory_space<vmem>>
        %dma_start3A_681 = tpu.memref_squeeze %dma_start3A_680 : memref<1x64xi32, #tpu.memory_space<vmem>> -> memref<64xi32, #tpu.memory_space<vmem>>
        %dma_start3A_682 = arith.constant 0 : i32
        %dma_start3A_683 = arith.constant 0 : i32
        %dma_start3A_684 = tpu.memref_slice %arg2[%dma_start3A_682, %dma_start3A_683] : memref<100000x128xf32, #tpu.memory_space<hbm>> -> memref<100000x128xf32, #tpu.memory_space<hbm>>
        tpu.enqueue_indirect_dma source(%dma_start3A_684 : memref<100000x128xf32, #tpu.memory_space<hbm>>) target(%arg11 : memref<64x128xf32, #tpu.memory_space<vmem>>) offsets(%dma_start3A_681 : memref<64xi32, #tpu.memory_space<vmem>>) semaphore(%arg16 : memref<!tpu.dma_semaphore, #tpu.memory_space<semaphore_mem>>)
      } else {
      }
      %jit3A_540 = arith.constant 2 : i32
      %div3A_541 = arith.divsi %add3A_527, %jit3A_540 : i32
      %sign3A_542 = arith.constant 0 : i32
      %sign3A_543 = arith.cmpi sgt, %add3A_527, %sign3A_542 : i32
      %sign3A_544 = arith.extui %sign3A_543 : i1 to i32
      %sign3A_545 = arith.constant 0 : i32
      %sign3A_546 = arith.cmpi slt, %add3A_527, %sign3A_545 : i32
      %sign3A_547 = arith.extui %sign3A_546 : i1 to i32
      %sign3A_548 = arith.subi %sign3A_544, %sign3A_547 : i32
      %sign3A_549 = arith.constant 0 : i32
      %sign3A_550 = arith.cmpi sgt, %jit3A_540, %sign3A_549 : i32
      %sign3A_551 = arith.extui %sign3A_550 : i1 to i32
      %sign3A_552 = arith.constant 0 : i32
      %sign3A_553 = arith.cmpi slt, %jit3A_540, %sign3A_552 : i32
      %sign3A_554 = arith.extui %sign3A_553 : i1 to i32
      %sign3A_555 = arith.subi %sign3A_551, %sign3A_554 : i32
      %ne3A_556 = arith.cmpi ne, %sign3A_548, %sign3A_555 : i32
      %rem3A_557 = arith.remsi %add3A_527, %jit3A_540 : i32
      %ne3A_558 = arith.constant 0 : i32
      %ne3A_559 = arith.cmpi ne, %rem3A_557, %ne3A_558 : i32
      %and3A_560 = arith.andi %ne3A_556, %ne3A_559 : i1
      %sub3A_561 = arith.constant 1 : i32
      %sub3A_562 = arith.subi %div3A_541, %sub3A_561 : i32
      %select_n3A_563 = arith.select %and3A_560, %sub3A_562, %div3A_541 : i32
      %jit3A_564 = arith.constant 2 : i32
      %eq3A_565 = arith.constant 0 : i32
      %eq3A_566 = arith.cmpi eq, %jit3A_564, %eq3A_565 : i32
      %jit3A_567 = arith.constant 1 : i32
      %select_n3A_568 = arith.select %eq3A_566, %jit3A_567, %jit3A_564 : i32
      %rem3A_569 = arith.remsi %add3A_527, %select_n3A_568 : i32
      %ne3A_570 = arith.constant 0 : i32
      %ne3A_571 = arith.cmpi ne, %rem3A_569, %ne3A_570 : i32
      %lt3A_572 = arith.constant 0 : i32
      %lt3A_573 = arith.cmpi slt, %rem3A_569, %lt3A_572 : i32
      %lt3A_574 = arith.constant 0 : i32
      %lt3A_575 = arith.cmpi slt, %select_n3A_568, %lt3A_574 : i32
      %ne3A_576 = arith.xori %lt3A_573, %lt3A_575 : i1
      %and3A_577 = arith.andi %ne3A_576, %ne3A_571 : i1
      %add3A_578 = arith.addi %rem3A_569, %select_n3A_568 : i32
      %select_n3A_579 = arith.select %and3A_577, %add3A_578, %rem3A_569 : i32
      %mul3A_580 = arith.constant 64 : i32
      %mul3A_581 = arith.muli %select_n3A_579, %mul3A_580 : i32
      %dma_wait3A_582 = tpu.memref_slice %arg8[%select_n3A_563, %mul3A_581] : memref<50x128xi32, #tpu.memory_space<vmem>> -> memref<1x64xi32, #tpu.memory_space<vmem>>
      %dma_wait3A_583 = tpu.memref_squeeze %dma_wait3A_582 : memref<1x64xi32, #tpu.memory_space<vmem>> -> memref<64xi32, #tpu.memory_space<vmem>>
      %dma_wait3A_584 = arith.constant 0 : i32
      %dma_wait3A_585 = arith.constant 0 : i32
      %dma_wait3A_586 = tpu.memref_slice %arg2[%dma_wait3A_584, %dma_wait3A_585] : memref<100000x128xf32, #tpu.memory_space<hbm>> -> memref<100000x128xf32, #tpu.memory_space<hbm>>
      tpu.wait_indirect_dma semaphore(%arg18 : memref<!tpu.dma_semaphore, #tpu.memory_space<semaphore_mem>>) src(%dma_wait3A_586 : memref<100000x128xf32, #tpu.memory_space<hbm>>) dst(%arg13 : memref<64x128xf32, #tpu.memory_space<vmem>>)
      %jit3A_587 = arith.constant 2 : i32
      %div3A_588 = arith.divsi %add3A_527, %jit3A_587 : i32
      %sign3A_589 = arith.constant 0 : i32
      %sign3A_590 = arith.cmpi sgt, %add3A_527, %sign3A_589 : i32
      %sign3A_591 = arith.extui %sign3A_590 : i1 to i32
      %sign3A_592 = arith.constant 0 : i32
      %sign3A_593 = arith.cmpi slt, %add3A_527, %sign3A_592 : i32
      %sign3A_594 = arith.extui %sign3A_593 : i1 to i32
      %sign3A_595 = arith.subi %sign3A_591, %sign3A_594 : i32
      %sign3A_596 = arith.constant 0 : i32
      %sign3A_597 = arith.cmpi sgt, %jit3A_587, %sign3A_596 : i32
      %sign3A_598 = arith.extui %sign3A_597 : i1 to i32
      %sign3A_599 = arith.constant 0 : i32
      %sign3A_600 = arith.cmpi slt, %jit3A_587, %sign3A_599 : i32
      %sign3A_601 = arith.extui %sign3A_600 : i1 to i32
      %sign3A_602 = arith.subi %sign3A_598, %sign3A_601 : i32
      %ne3A_603 = arith.cmpi ne, %sign3A_595, %sign3A_602 : i32
      %rem3A_604 = arith.remsi %add3A_527, %jit3A_587 : i32
      %ne3A_605 = arith.constant 0 : i32
      %ne3A_606 = arith.cmpi ne, %rem3A_604, %ne3A_605 : i32
      %and3A_607 = arith.andi %ne3A_603, %ne3A_606 : i1
      %sub3A_608 = arith.constant 1 : i32
      %sub3A_609 = arith.subi %div3A_588, %sub3A_608 : i32
      %select_n3A_610 = arith.select %and3A_607, %sub3A_609, %div3A_588 : i32
      %jit3A_611 = arith.constant 2 : i32
      %eq3A_612 = arith.constant 0 : i32
      %eq3A_613 = arith.cmpi eq, %jit3A_611, %eq3A_612 : i32
      %jit3A_614 = arith.constant 1 : i32
      %select_n3A_615 = arith.select %eq3A_613, %jit3A_614, %jit3A_611 : i32
      %rem3A_616 = arith.remsi %add3A_527, %select_n3A_615 : i32
      %ne3A_617 = arith.constant 0 : i32
      %ne3A_618 = arith.cmpi ne, %rem3A_616, %ne3A_617 : i32
      %lt3A_619 = arith.constant 0 : i32
      %lt3A_620 = arith.cmpi slt, %rem3A_616, %lt3A_619 : i32
      %lt3A_621 = arith.constant 0 : i32
      %lt3A_622 = arith.cmpi slt, %select_n3A_615, %lt3A_621 : i32
      %ne3A_623 = arith.xori %lt3A_620, %lt3A_622 : i1
      %and3A_624 = arith.andi %ne3A_623, %ne3A_618 : i1
      %add3A_625 = arith.addi %rem3A_616, %select_n3A_615 : i32
      %select_n3A_626 = arith.select %and3A_624, %add3A_625, %rem3A_616 : i32
      %mul3A_627 = arith.constant 64 : i32
      %mul3A_628 = arith.muli %select_n3A_626, %mul3A_627 : i32
      %add3A_629 = arith.addi %mul3A_2, %mul3A_628 : i32
      %dma_start3A_630 = arith.constant 0 : i32
      %dma_start3A_631 = tpu.memref_slice %arg6[%select_n3A_610, %add3A_629, %dma_start3A_630] : memref<50x4096x128xf32, #tpu.memory_space<hbm>> -> memref<1x64x128xf32, #tpu.memory_space<hbm>>
      %dma_start3A_632 = tpu.memref_squeeze %dma_start3A_631 : memref<1x64x128xf32, #tpu.memory_space<hbm>> -> memref<64x128xf32, #tpu.memory_space<hbm>>
      %dma_start3A_633 = arith.constant 0 : i32
      %dma_start3A_634 = tpu.memref_slice %arg6[%select_n3A_610, %add3A_629, %dma_start3A_633] : memref<50x4096x128xf32, #tpu.memory_space<hbm>> -> memref<1x64x128xf32, #tpu.memory_space<hbm>>
      %dma_start3A_635 = tpu.memref_squeeze %dma_start3A_634 : memref<1x64x128xf32, #tpu.memory_space<hbm>> -> memref<64x128xf32, #tpu.memory_space<hbm>>
      tpu.enqueue_dma source(%arg13 : memref<64x128xf32, #tpu.memory_space<vmem>>) target(%dma_start3A_635 : memref<64x128xf32, #tpu.memory_space<hbm>>) target_semaphore(%arg23 : memref<!tpu.dma_semaphore, #tpu.memory_space<semaphore_mem>>)
    }
    %scan3A_26 = arith.constant 20 : i32
    %add3A_27 = arith.constant 0 : i32
    %add3A_28 = arith.addi %mul3A_2, %add3A_27 : i32
    %dma_wait3A = arith.constant 49 : i32
    %dma_wait3A_29 = arith.constant 0 : i32
    %dma_wait3A_30 = tpu.memref_slice %arg6[%dma_wait3A, %add3A_28, %dma_wait3A_29] : memref<50x4096x128xf32, #tpu.memory_space<hbm>> -> memref<1x64x128xf32, #tpu.memory_space<hbm>>
    %dma_wait3A_31 = tpu.memref_squeeze %dma_wait3A_30 : memref<1x64x128xf32, #tpu.memory_space<hbm>> -> memref<64x128xf32, #tpu.memory_space<hbm>>
    %dma_wait3A_32 = arith.constant 0 : i32
    %dma_wait3A_33 = tpu.memref_slice %arg6[%dma_wait3A, %add3A_28, %dma_wait3A_32] : memref<50x4096x128xf32, #tpu.memory_space<hbm>> -> memref<1x64x128xf32, #tpu.memory_space<hbm>>
    %dma_wait3A_34 = tpu.memref_squeeze %dma_wait3A_33 : memref<1x64x128xf32, #tpu.memory_space<hbm>> -> memref<64x128xf32, #tpu.memory_space<hbm>>
    tpu.wait_dma2 semaphore(%arg22 : memref<!tpu.dma_semaphore, #tpu.memory_space<semaphore_mem>>) src(%arg12 : memref<64x128xf32, #tpu.memory_space<vmem>>) dst(%dma_wait3A_34 : memref<64x128xf32, #tpu.memory_space<hbm>>)
    %add3A_35 = arith.constant 64 : i32
    %add3A_36 = arith.addi %mul3A_2, %add3A_35 : i32
    %dma_wait3A_37 = arith.constant 49 : i32
    %dma_wait3A_38 = arith.constant 0 : i32
    %dma_wait3A_39 = tpu.memref_slice %arg6[%dma_wait3A_37, %add3A_36, %dma_wait3A_38] : memref<50x4096x128xf32, #tpu.memory_space<hbm>> -> memref<1x64x128xf32, #tpu.memory_space<hbm>>
    %dma_wait3A_40 = tpu.memref_squeeze %dma_wait3A_39 : memref<1x64x128xf32, #tpu.memory_space<hbm>> -> memref<64x128xf32, #tpu.memory_space<hbm>>
    %dma_wait3A_41 = arith.constant 0 : i32
    %dma_wait3A_42 = tpu.memref_slice %arg6[%dma_wait3A_37, %add3A_36, %dma_wait3A_41] : memref<50x4096x128xf32, #tpu.memory_space<hbm>> -> memref<1x64x128xf32, #tpu.memory_space<hbm>>
    %dma_wait3A_43 = tpu.memref_squeeze %dma_wait3A_42 : memref<1x64x128xf32, #tpu.memory_space<hbm>> -> memref<64x128xf32, #tpu.memory_space<hbm>>
    tpu.wait_dma2 semaphore(%arg23 : memref<!tpu.dma_semaphore, #tpu.memory_space<semaphore_mem>>) src(%arg13 : memref<64x128xf32, #tpu.memory_space<vmem>>) dst(%dma_wait3A_43 : memref<64x128xf32, #tpu.memory_space<hbm>>)
    "tpu.region"() ({
      %run_scoped3A = tpu.sem_alloc : memref<!tpu.dma_semaphore, #tpu.memory_space<semaphore_mem>>
      %dma_start3A_88 = arith.constant 0 : i32
      %dma_start3A_89 = tpu.memref_slice %arg5[%dma_start3A_88, %mul3A_2] : memref<50x4096xi32, #tpu.memory_space<hbm>> -> memref<50x128xi32, #tpu.memory_space<hbm>>
      %dma_start3A_90 = arith.constant 0 : i32
      %dma_start3A_91 = tpu.memref_slice %arg5[%dma_start3A_90, %mul3A_2] : memref<50x4096xi32, #tpu.memory_space<hbm>> -> memref<50x128xi32, #tpu.memory_space<hbm>>
      tpu.enqueue_dma source(%dma_start3A_91 : memref<50x128xi32, #tpu.memory_space<hbm>>) target(%arg8 : memref<50x128xi32, #tpu.memory_space<vmem>>) target_semaphore(%run_scoped3A : memref<!tpu.dma_semaphore, #tpu.memory_space<semaphore_mem>>)
      %dma_wait3A_92 = arith.constant 0 : i32
      %dma_wait3A_93 = tpu.memref_slice %arg5[%dma_wait3A_92, %mul3A_2] : memref<50x4096xi32, #tpu.memory_space<hbm>> -> memref<50x128xi32, #tpu.memory_space<hbm>>
      %dma_wait3A_94 = arith.constant 0 : i32
      %dma_wait3A_95 = tpu.memref_slice %arg5[%dma_wait3A_94, %mul3A_2] : memref<50x4096xi32, #tpu.memory_space<hbm>> -> memref<50x128xi32, #tpu.memory_space<hbm>>
      tpu.wait_dma2 semaphore(%run_scoped3A : memref<!tpu.dma_semaphore, #tpu.memory_space<semaphore_mem>>) src(%dma_wait3A_95 : memref<50x128xi32, #tpu.memory_space<hbm>>) dst(%arg8 : memref<50x128xi32, #tpu.memory_space<vmem>>)
      tpu.yield
    }) : () -> ()
    %dma_start3A_44 = arith.constant 0 : i32
    %dma_start3A_45 = arith.constant 0 : i32
    %dma_start3A_46 = tpu.memref_slice %arg8[%dma_start3A_44, %dma_start3A_45] : memref<50x128xi32, #tpu.memory_space<vmem>> -> memref<1x64xi32, #tpu.memory_space<vmem>>
    %dma_start3A_47 = tpu.memref_squeeze %dma_start3A_46 : memref<1x64xi32, #tpu.memory_space<vmem>> -> memref<64xi32, #tpu.memory_space<vmem>>
    %dma_start3A_48 = arith.constant 0 : i32
    %dma_start3A_49 = arith.constant 0 : i32
    %dma_start3A_50 = tpu.memref_slice %arg3[%dma_start3A_48, %dma_start3A_49] : memref<100000x128xf32, #tpu.memory_space<hbm>> -> memref<100000x128xf32, #tpu.memory_space<hbm>>
    tpu.enqueue_indirect_dma source(%dma_start3A_50 : memref<100000x128xf32, #tpu.memory_space<hbm>>) target(%arg9 : memref<64x128xf32, #tpu.memory_space<vmem>>) offsets(%dma_start3A_47 : memref<64xi32, #tpu.memory_space<vmem>>) semaphore(%arg14 : memref<!tpu.dma_semaphore, #tpu.memory_space<semaphore_mem>>)
    %dma_start3A_51 = arith.constant 0 : i32
    %dma_start3A_52 = arith.constant 64 : i32
    %dma_start3A_53 = tpu.memref_slice %arg8[%dma_start3A_51, %dma_start3A_52] : memref<50x128xi32, #tpu.memory_space<vmem>> -> memref<1x64xi32, #tpu.memory_space<vmem>>
    %dma_start3A_54 = tpu.memref_squeeze %dma_start3A_53 : memref<1x64xi32, #tpu.memory_space<vmem>> -> memref<64xi32, #tpu.memory_space<vmem>>
    %dma_start3A_55 = arith.constant 0 : i32
    %dma_start3A_56 = arith.constant 0 : i32
    %dma_start3A_57 = tpu.memref_slice %arg3[%dma_start3A_55, %dma_start3A_56] : memref<100000x128xf32, #tpu.memory_space<hbm>> -> memref<100000x128xf32, #tpu.memory_space<hbm>>
    tpu.enqueue_indirect_dma source(%dma_start3A_57 : memref<100000x128xf32, #tpu.memory_space<hbm>>) target(%arg10 : memref<64x128xf32, #tpu.memory_space<vmem>>) offsets(%dma_start3A_54 : memref<64xi32, #tpu.memory_space<vmem>>) semaphore(%arg15 : memref<!tpu.dma_semaphore, #tpu.memory_space<semaphore_mem>>)
    %dma_start3A_58 = arith.constant 1 : i32
    %dma_start3A_59 = arith.constant 0 : i32
    %dma_start3A_60 = tpu.memref_slice %arg8[%dma_start3A_58, %dma_start3A_59] : memref<50x128xi32, #tpu.memory_space<vmem>> -> memref<1x64xi32, #tpu.memory_space<vmem>>
    %dma_start3A_61 = tpu.memref_squeeze %dma_start3A_60 : memref<1x64xi32, #tpu.memory_space<vmem>> -> memref<64xi32, #tpu.memory_space<vmem>>
    %dma_start3A_62 = arith.constant 0 : i32
    %dma_start3A_63 = arith.constant 0 : i32
    %dma_start3A_64 = tpu.memref_slice %arg3[%dma_start3A_62, %dma_start3A_63] : memref<100000x128xf32, #tpu.memory_space<hbm>> -> memref<100000x128xf32, #tpu.memory_space<hbm>>
    tpu.enqueue_indirect_dma source(%dma_start3A_64 : memref<100000x128xf32, #tpu.memory_space<hbm>>) target(%arg11 : memref<64x128xf32, #tpu.memory_space<vmem>>) offsets(%dma_start3A_61 : memref<64xi32, #tpu.memory_space<vmem>>) semaphore(%arg16 : memref<!tpu.dma_semaphore, #tpu.memory_space<semaphore_mem>>)
    %scan3A_65 = arith.constant 0 : i32
    %scan3A_66 = arith.constant 20 : i32
    %scan3A_67 = arith.addi %scan3A_65, %scan3A_66 : i32
    %scan3A_68 = arith.constant 1 : i32
    scf.for %scan3A_88 = %scan3A_65 to %scan3A_67 step %scan3A_68  : i32 {
      %mul3A_89 = arith.constant 5 : i32
      %mul3A_90 = arith.muli %scan3A_88, %mul3A_89 : i32
      %add3A_91 = arith.constant 0 : i32
      %add3A_92 = arith.addi %mul3A_90, %add3A_91 : i32
      %ge3A = arith.constant 2 : i32
      %ge3A_93 = arith.cmpi sge, %add3A_92, %ge3A : i32
      %convert_element_type3A = arith.extui %ge3A_93 : i1 to i32
      %cond3A = arith.constant 0 : i32
      %cond3A_94 = arith.cmpi ne, %convert_element_type3A, %cond3A : i32
      scf.if %cond3A_94 {
        %sub3A_636 = arith.constant 2 : i32
        %sub3A_637 = arith.subi %add3A_92, %sub3A_636 : i32
        %jit3A_638 = arith.constant 2 : i32
        %div3A_639 = arith.divsi %sub3A_637, %jit3A_638 : i32
        %sign3A_640 = arith.constant 0 : i32
        %sign3A_641 = arith.cmpi sgt, %sub3A_637, %sign3A_640 : i32
        %sign3A_642 = arith.extui %sign3A_641 : i1 to i32
        %sign3A_643 = arith.constant 0 : i32
        %sign3A_644 = arith.cmpi slt, %sub3A_637, %sign3A_643 : i32
        %sign3A_645 = arith.extui %sign3A_644 : i1 to i32
        %sign3A_646 = arith.subi %sign3A_642, %sign3A_645 : i32
        %sign3A_647 = arith.constant 0 : i32
        %sign3A_648 = arith.cmpi sgt, %jit3A_638, %sign3A_647 : i32
        %sign3A_649 = arith.extui %sign3A_648 : i1 to i32
        %sign3A_650 = arith.constant 0 : i32
        %sign3A_651 = arith.cmpi slt, %jit3A_638, %sign3A_650 : i32
        %sign3A_652 = arith.extui %sign3A_651 : i1 to i32
        %sign3A_653 = arith.subi %sign3A_649, %sign3A_652 : i32
        %ne3A_654 = arith.cmpi ne, %sign3A_646, %sign3A_653 : i32
        %rem3A_655 = arith.remsi %sub3A_637, %jit3A_638 : i32
        %ne3A_656 = arith.constant 0 : i32
        %ne3A_657 = arith.cmpi ne, %rem3A_655, %ne3A_656 : i32
        %and3A_658 = arith.andi %ne3A_654, %ne3A_657 : i1
        %sub3A_659 = arith.constant 1 : i32
        %sub3A_660 = arith.subi %div3A_639, %sub3A_659 : i32
        %select_n3A_661 = arith.select %and3A_658, %sub3A_660, %div3A_639 : i32
        %jit3A_662 = arith.constant 2 : i32
        %eq3A_663 = arith.constant 0 : i32
        %eq3A_664 = arith.cmpi eq, %jit3A_662, %eq3A_663 : i32
        %jit3A_665 = arith.constant 1 : i32
        %select_n3A_666 = arith.select %eq3A_664, %jit3A_665, %jit3A_662 : i32
        %rem3A_667 = arith.remsi %sub3A_637, %select_n3A_666 : i32
        %ne3A_668 = arith.constant 0 : i32
        %ne3A_669 = arith.cmpi ne, %rem3A_667, %ne3A_668 : i32
        %lt3A_670 = arith.constant 0 : i32
        %lt3A_671 = arith.cmpi slt, %rem3A_667, %lt3A_670 : i32
        %lt3A_672 = arith.constant 0 : i32
        %lt3A_673 = arith.cmpi slt, %select_n3A_666, %lt3A_672 : i32
        %ne3A_674 = arith.xori %lt3A_671, %lt3A_673 : i1
        %and3A_675 = arith.andi %ne3A_674, %ne3A_669 : i1
        %add3A_676 = arith.addi %rem3A_667, %select_n3A_666 : i32
        %select_n3A_677 = arith.select %and3A_675, %add3A_676, %rem3A_667 : i32
        %mul3A_678 = arith.constant 64 : i32
        %mul3A_679 = arith.muli %select_n3A_677, %mul3A_678 : i32
        %add3A_680 = arith.addi %mul3A_2, %mul3A_679 : i32
        %dma_wait3A_681 = arith.constant 0 : i32
        %dma_wait3A_682 = tpu.memref_slice %arg7[%select_n3A_661, %add3A_680, %dma_wait3A_681] : memref<50x4096x128xf32, #tpu.memory_space<hbm>> -> memref<1x64x128xf32, #tpu.memory_space<hbm>>
        %dma_wait3A_683 = tpu.memref_squeeze %dma_wait3A_682 : memref<1x64x128xf32, #tpu.memory_space<hbm>> -> memref<64x128xf32, #tpu.memory_space<hbm>>
        %dma_wait3A_684 = arith.constant 0 : i32
        %dma_wait3A_685 = tpu.memref_slice %arg7[%select_n3A_661, %add3A_680, %dma_wait3A_684] : memref<50x4096x128xf32, #tpu.memory_space<hbm>> -> memref<1x64x128xf32, #tpu.memory_space<hbm>>
        %dma_wait3A_686 = tpu.memref_squeeze %dma_wait3A_685 : memref<1x64x128xf32, #tpu.memory_space<hbm>> -> memref<64x128xf32, #tpu.memory_space<hbm>>
        tpu.wait_dma2 semaphore(%arg22 : memref<!tpu.dma_semaphore, #tpu.memory_space<semaphore_mem>>) src(%arg12 : memref<64x128xf32, #tpu.memory_space<vmem>>) dst(%dma_wait3A_686 : memref<64x128xf32, #tpu.memory_space<hbm>>)
      } else {
      }
      %add3A_95 = arith.constant 3 : i32
      %add3A_96 = arith.addi %add3A_92, %add3A_95 : i32
      %lt3A = arith.constant 100 : i32
      %lt3A_97 = arith.cmpi slt, %add3A_96, %lt3A : i32
      %convert_element_type3A_98 = arith.extui %lt3A_97 : i1 to i32
      %cond3A_99 = arith.constant 0 : i32
      %cond3A_100 = arith.cmpi ne, %convert_element_type3A_98, %cond3A_99 : i32
      scf.if %cond3A_100 {
        %add3A_636 = arith.constant 3 : i32
        %add3A_637 = arith.addi %add3A_92, %add3A_636 : i32
        %jit3A_638 = arith.constant 2 : i32
        %div3A_639 = arith.divsi %add3A_637, %jit3A_638 : i32
        %sign3A_640 = arith.constant 0 : i32
        %sign3A_641 = arith.cmpi sgt, %add3A_637, %sign3A_640 : i32
        %sign3A_642 = arith.extui %sign3A_641 : i1 to i32
        %sign3A_643 = arith.constant 0 : i32
        %sign3A_644 = arith.cmpi slt, %add3A_637, %sign3A_643 : i32
        %sign3A_645 = arith.extui %sign3A_644 : i1 to i32
        %sign3A_646 = arith.subi %sign3A_642, %sign3A_645 : i32
        %sign3A_647 = arith.constant 0 : i32
        %sign3A_648 = arith.cmpi sgt, %jit3A_638, %sign3A_647 : i32
        %sign3A_649 = arith.extui %sign3A_648 : i1 to i32
        %sign3A_650 = arith.constant 0 : i32
        %sign3A_651 = arith.cmpi slt, %jit3A_638, %sign3A_650 : i32
        %sign3A_652 = arith.extui %sign3A_651 : i1 to i32
        %sign3A_653 = arith.subi %sign3A_649, %sign3A_652 : i32
        %ne3A_654 = arith.cmpi ne, %sign3A_646, %sign3A_653 : i32
        %rem3A_655 = arith.remsi %add3A_637, %jit3A_638 : i32
        %ne3A_656 = arith.constant 0 : i32
        %ne3A_657 = arith.cmpi ne, %rem3A_655, %ne3A_656 : i32
        %and3A_658 = arith.andi %ne3A_654, %ne3A_657 : i1
        %sub3A_659 = arith.constant 1 : i32
        %sub3A_660 = arith.subi %div3A_639, %sub3A_659 : i32
        %select_n3A_661 = arith.select %and3A_658, %sub3A_660, %div3A_639 : i32
        %jit3A_662 = arith.constant 2 : i32
        %eq3A_663 = arith.constant 0 : i32
        %eq3A_664 = arith.cmpi eq, %jit3A_662, %eq3A_663 : i32
        %jit3A_665 = arith.constant 1 : i32
        %select_n3A_666 = arith.select %eq3A_664, %jit3A_665, %jit3A_662 : i32
        %rem3A_667 = arith.remsi %add3A_637, %select_n3A_666 : i32
        %ne3A_668 = arith.constant 0 : i32
        %ne3A_669 = arith.cmpi ne, %rem3A_667, %ne3A_668 : i32
        %lt3A_670 = arith.constant 0 : i32
        %lt3A_671 = arith.cmpi slt, %rem3A_667, %lt3A_670 : i32
        %lt3A_672 = arith.constant 0 : i32
        %lt3A_673 = arith.cmpi slt, %select_n3A_666, %lt3A_672 : i32
        %ne3A_674 = arith.xori %lt3A_671, %lt3A_673 : i1
        %and3A_675 = arith.andi %ne3A_674, %ne3A_669 : i1
        %add3A_676 = arith.addi %rem3A_667, %select_n3A_666 : i32
        %select_n3A_677 = arith.select %and3A_675, %add3A_676, %rem3A_667 : i32
        %mul3A_678 = arith.constant 64 : i32
        %mul3A_679 = arith.muli %select_n3A_677, %mul3A_678 : i32
        %dma_start3A_680 = tpu.memref_slice %arg8[%select_n3A_661, %mul3A_679] : memref<50x128xi32, #tpu.memory_space<vmem>> -> memref<1x64xi32, #tpu.memory_space<vmem>>
        %dma_start3A_681 = tpu.memref_squeeze %dma_start3A_680 : memref<1x64xi32, #tpu.memory_space<vmem>> -> memref<64xi32, #tpu.memory_space<vmem>>
        %dma_start3A_682 = arith.constant 0 : i32
        %dma_start3A_683 = arith.constant 0 : i32
        %dma_start3A_684 = tpu.memref_slice %arg3[%dma_start3A_682, %dma_start3A_683] : memref<100000x128xf32, #tpu.memory_space<hbm>> -> memref<100000x128xf32, #tpu.memory_space<hbm>>
        tpu.enqueue_indirect_dma source(%dma_start3A_684 : memref<100000x128xf32, #tpu.memory_space<hbm>>) target(%arg12 : memref<64x128xf32, #tpu.memory_space<vmem>>) offsets(%dma_start3A_681 : memref<64xi32, #tpu.memory_space<vmem>>) semaphore(%arg17 : memref<!tpu.dma_semaphore, #tpu.memory_space<semaphore_mem>>)
      } else {
      }
      %jit3A = arith.constant 2 : i32
      %div3A = arith.divsi %add3A_92, %jit3A : i32
      %sign3A = arith.constant 0 : i32
      %sign3A_101 = arith.cmpi sgt, %add3A_92, %sign3A : i32
      %sign3A_102 = arith.extui %sign3A_101 : i1 to i32
      %sign3A_103 = arith.constant 0 : i32
      %sign3A_104 = arith.cmpi slt, %add3A_92, %sign3A_103 : i32
      %sign3A_105 = arith.extui %sign3A_104 : i1 to i32
      %sign3A_106 = arith.subi %sign3A_102, %sign3A_105 : i32
      %sign3A_107 = arith.constant 0 : i32
      %sign3A_108 = arith.cmpi sgt, %jit3A, %sign3A_107 : i32
      %sign3A_109 = arith.extui %sign3A_108 : i1 to i32
      %sign3A_110 = arith.constant 0 : i32
      %sign3A_111 = arith.cmpi slt, %jit3A, %sign3A_110 : i32
      %sign3A_112 = arith.extui %sign3A_111 : i1 to i32
      %sign3A_113 = arith.subi %sign3A_109, %sign3A_112 : i32
      %ne3A = arith.cmpi ne, %sign3A_106, %sign3A_113 : i32
      %rem3A = arith.remsi %add3A_92, %jit3A : i32
      %ne3A_114 = arith.constant 0 : i32
      %ne3A_115 = arith.cmpi ne, %rem3A, %ne3A_114 : i32
      %and3A = arith.andi %ne3A, %ne3A_115 : i1
      %sub3A = arith.constant 1 : i32
      %sub3A_116 = arith.subi %div3A, %sub3A : i32
      %select_n3A = arith.select %and3A, %sub3A_116, %div3A : i32
      %jit3A_117 = arith.constant 2 : i32
      %eq3A = arith.constant 0 : i32
      %eq3A_118 = arith.cmpi eq, %jit3A_117, %eq3A : i32
      %jit3A_119 = arith.constant 1 : i32
      %select_n3A_120 = arith.select %eq3A_118, %jit3A_119, %jit3A_117 : i32
      %rem3A_121 = arith.remsi %add3A_92, %select_n3A_120 : i32
      %ne3A_122 = arith.constant 0 : i32
      %ne3A_123 = arith.cmpi ne, %rem3A_121, %ne3A_122 : i32
      %lt3A_124 = arith.constant 0 : i32
      %lt3A_125 = arith.cmpi slt, %rem3A_121, %lt3A_124 : i32
      %lt3A_126 = arith.constant 0 : i32
      %lt3A_127 = arith.cmpi slt, %select_n3A_120, %lt3A_126 : i32
      %ne3A_128 = arith.xori %lt3A_125, %lt3A_127 : i1
      %and3A_129 = arith.andi %ne3A_128, %ne3A_123 : i1
      %add3A_130 = arith.addi %rem3A_121, %select_n3A_120 : i32
      %select_n3A_131 = arith.select %and3A_129, %add3A_130, %rem3A_121 : i32
      %mul3A_132 = arith.constant 64 : i32
      %mul3A_133 = arith.muli %select_n3A_131, %mul3A_132 : i32
      %dma_wait3A_134 = tpu.memref_slice %arg8[%select_n3A, %mul3A_133] : memref<50x128xi32, #tpu.memory_space<vmem>> -> memref<1x64xi32, #tpu.memory_space<vmem>>
      %dma_wait3A_135 = tpu.memref_squeeze %dma_wait3A_134 : memref<1x64xi32, #tpu.memory_space<vmem>> -> memref<64xi32, #tpu.memory_space<vmem>>
      %dma_wait3A_136 = arith.constant 0 : i32
      %dma_wait3A_137 = arith.constant 0 : i32
      %dma_wait3A_138 = tpu.memref_slice %arg3[%dma_wait3A_136, %dma_wait3A_137] : memref<100000x128xf32, #tpu.memory_space<hbm>> -> memref<100000x128xf32, #tpu.memory_space<hbm>>
      tpu.wait_indirect_dma semaphore(%arg14 : memref<!tpu.dma_semaphore, #tpu.memory_space<semaphore_mem>>) src(%dma_wait3A_138 : memref<100000x128xf32, #tpu.memory_space<hbm>>) dst(%arg9 : memref<64x128xf32, #tpu.memory_space<vmem>>)
      %jit3A_139 = arith.constant 2 : i32
      %div3A_140 = arith.divsi %add3A_92, %jit3A_139 : i32
      %sign3A_141 = arith.constant 0 : i32
      %sign3A_142 = arith.cmpi sgt, %add3A_92, %sign3A_141 : i32
      %sign3A_143 = arith.extui %sign3A_142 : i1 to i32
      %sign3A_144 = arith.constant 0 : i32
      %sign3A_145 = arith.cmpi slt, %add3A_92, %sign3A_144 : i32
      %sign3A_146 = arith.extui %sign3A_145 : i1 to i32
      %sign3A_147 = arith.subi %sign3A_143, %sign3A_146 : i32
      %sign3A_148 = arith.constant 0 : i32
      %sign3A_149 = arith.cmpi sgt, %jit3A_139, %sign3A_148 : i32
      %sign3A_150 = arith.extui %sign3A_149 : i1 to i32
      %sign3A_151 = arith.constant 0 : i32
      %sign3A_152 = arith.cmpi slt, %jit3A_139, %sign3A_151 : i32
      %sign3A_153 = arith.extui %sign3A_152 : i1 to i32
      %sign3A_154 = arith.subi %sign3A_150, %sign3A_153 : i32
      %ne3A_155 = arith.cmpi ne, %sign3A_147, %sign3A_154 : i32
      %rem3A_156 = arith.remsi %add3A_92, %jit3A_139 : i32
      %ne3A_157 = arith.constant 0 : i32
      %ne3A_158 = arith.cmpi ne, %rem3A_156, %ne3A_157 : i32
      %and3A_159 = arith.andi %ne3A_155, %ne3A_158 : i1
      %sub3A_160 = arith.constant 1 : i32
      %sub3A_161 = arith.subi %div3A_140, %sub3A_160 : i32
      %select_n3A_162 = arith.select %and3A_159, %sub3A_161, %div3A_140 : i32
      %jit3A_163 = arith.constant 2 : i32
      %eq3A_164 = arith.constant 0 : i32
      %eq3A_165 = arith.cmpi eq, %jit3A_163, %eq3A_164 : i32
      %jit3A_166 = arith.constant 1 : i32
      %select_n3A_167 = arith.select %eq3A_165, %jit3A_166, %jit3A_163 : i32
      %rem3A_168 = arith.remsi %add3A_92, %select_n3A_167 : i32
      %ne3A_169 = arith.constant 0 : i32
      %ne3A_170 = arith.cmpi ne, %rem3A_168, %ne3A_169 : i32
      %lt3A_171 = arith.constant 0 : i32
      %lt3A_172 = arith.cmpi slt, %rem3A_168, %lt3A_171 : i32
      %lt3A_173 = arith.constant 0 : i32
      %lt3A_174 = arith.cmpi slt, %select_n3A_167, %lt3A_173 : i32
      %ne3A_175 = arith.xori %lt3A_172, %lt3A_174 : i1
      %and3A_176 = arith.andi %ne3A_175, %ne3A_170 : i1
      %add3A_177 = arith.addi %rem3A_168, %select_n3A_167 : i32
      %select_n3A_178 = arith.select %and3A_176, %add3A_177, %rem3A_168 : i32
      %mul3A_179 = arith.constant 64 : i32
      %mul3A_180 = arith.muli %select_n3A_178, %mul3A_179 : i32
      %add3A_181 = arith.addi %mul3A_2, %mul3A_180 : i32
      %dma_start3A_182 = arith.constant 0 : i32
      %dma_start3A_183 = tpu.memref_slice %arg7[%select_n3A_162, %add3A_181, %dma_start3A_182] : memref<50x4096x128xf32, #tpu.memory_space<hbm>> -> memref<1x64x128xf32, #tpu.memory_space<hbm>>
      %dma_start3A_184 = tpu.memref_squeeze %dma_start3A_183 : memref<1x64x128xf32, #tpu.memory_space<hbm>> -> memref<64x128xf32, #tpu.memory_space<hbm>>
      %dma_start3A_185 = arith.constant 0 : i32
      %dma_start3A_186 = tpu.memref_slice %arg7[%select_n3A_162, %add3A_181, %dma_start3A_185] : memref<50x4096x128xf32, #tpu.memory_space<hbm>> -> memref<1x64x128xf32, #tpu.memory_space<hbm>>
      %dma_start3A_187 = tpu.memref_squeeze %dma_start3A_186 : memref<1x64x128xf32, #tpu.memory_space<hbm>> -> memref<64x128xf32, #tpu.memory_space<hbm>>
      tpu.enqueue_dma source(%arg9 : memref<64x128xf32, #tpu.memory_space<vmem>>) target(%dma_start3A_187 : memref<64x128xf32, #tpu.memory_space<hbm>>) target_semaphore(%arg19 : memref<!tpu.dma_semaphore, #tpu.memory_space<semaphore_mem>>)
      %mul3A_188 = arith.constant 5 : i32
      %mul3A_189 = arith.muli %scan3A_88, %mul3A_188 : i32
      %add3A_190 = arith.constant 1 : i32
      %add3A_191 = arith.addi %mul3A_189, %add3A_190 : i32
      %ge3A_192 = arith.constant 2 : i32
      %ge3A_193 = arith.cmpi sge, %add3A_191, %ge3A_192 : i32
      %convert_element_type3A_194 = arith.extui %ge3A_193 : i1 to i32
      %cond3A_195 = arith.constant 0 : i32
      %cond3A_196 = arith.cmpi ne, %convert_element_type3A_194, %cond3A_195 : i32
      scf.if %cond3A_196 {
        %sub3A_636 = arith.constant 2 : i32
        %sub3A_637 = arith.subi %add3A_191, %sub3A_636 : i32
        %jit3A_638 = arith.constant 2 : i32
        %div3A_639 = arith.divsi %sub3A_637, %jit3A_638 : i32
        %sign3A_640 = arith.constant 0 : i32
        %sign3A_641 = arith.cmpi sgt, %sub3A_637, %sign3A_640 : i32
        %sign3A_642 = arith.extui %sign3A_641 : i1 to i32
        %sign3A_643 = arith.constant 0 : i32
        %sign3A_644 = arith.cmpi slt, %sub3A_637, %sign3A_643 : i32
        %sign3A_645 = arith.extui %sign3A_644 : i1 to i32
        %sign3A_646 = arith.subi %sign3A_642, %sign3A_645 : i32
        %sign3A_647 = arith.constant 0 : i32
        %sign3A_648 = arith.cmpi sgt, %jit3A_638, %sign3A_647 : i32
        %sign3A_649 = arith.extui %sign3A_648 : i1 to i32
        %sign3A_650 = arith.constant 0 : i32
        %sign3A_651 = arith.cmpi slt, %jit3A_638, %sign3A_650 : i32
        %sign3A_652 = arith.extui %sign3A_651 : i1 to i32
        %sign3A_653 = arith.subi %sign3A_649, %sign3A_652 : i32
        %ne3A_654 = arith.cmpi ne, %sign3A_646, %sign3A_653 : i32
        %rem3A_655 = arith.remsi %sub3A_637, %jit3A_638 : i32
        %ne3A_656 = arith.constant 0 : i32
        %ne3A_657 = arith.cmpi ne, %rem3A_655, %ne3A_656 : i32
        %and3A_658 = arith.andi %ne3A_654, %ne3A_657 : i1
        %sub3A_659 = arith.constant 1 : i32
        %sub3A_660 = arith.subi %div3A_639, %sub3A_659 : i32
        %select_n3A_661 = arith.select %and3A_658, %sub3A_660, %div3A_639 : i32
        %jit3A_662 = arith.constant 2 : i32
        %eq3A_663 = arith.constant 0 : i32
        %eq3A_664 = arith.cmpi eq, %jit3A_662, %eq3A_663 : i32
        %jit3A_665 = arith.constant 1 : i32
        %select_n3A_666 = arith.select %eq3A_664, %jit3A_665, %jit3A_662 : i32
        %rem3A_667 = arith.remsi %sub3A_637, %select_n3A_666 : i32
        %ne3A_668 = arith.constant 0 : i32
        %ne3A_669 = arith.cmpi ne, %rem3A_667, %ne3A_668 : i32
        %lt3A_670 = arith.constant 0 : i32
        %lt3A_671 = arith.cmpi slt, %rem3A_667, %lt3A_670 : i32
        %lt3A_672 = arith.constant 0 : i32
        %lt3A_673 = arith.cmpi slt, %select_n3A_666, %lt3A_672 : i32
        %ne3A_674 = arith.xori %lt3A_671, %lt3A_673 : i1
        %and3A_675 = arith.andi %ne3A_674, %ne3A_669 : i1
        %add3A_676 = arith.addi %rem3A_667, %select_n3A_666 : i32
        %select_n3A_677 = arith.select %and3A_675, %add3A_676, %rem3A_667 : i32
        %mul3A_678 = arith.constant 64 : i32
        %mul3A_679 = arith.muli %select_n3A_677, %mul3A_678 : i32
        %add3A_680 = arith.addi %mul3A_2, %mul3A_679 : i32
        %dma_wait3A_681 = arith.constant 0 : i32
        %dma_wait3A_682 = tpu.memref_slice %arg7[%select_n3A_661, %add3A_680, %dma_wait3A_681] : memref<50x4096x128xf32, #tpu.memory_space<hbm>> -> memref<1x64x128xf32, #tpu.memory_space<hbm>>
        %dma_wait3A_683 = tpu.memref_squeeze %dma_wait3A_682 : memref<1x64x128xf32, #tpu.memory_space<hbm>> -> memref<64x128xf32, #tpu.memory_space<hbm>>
        %dma_wait3A_684 = arith.constant 0 : i32
        %dma_wait3A_685 = tpu.memref_slice %arg7[%select_n3A_661, %add3A_680, %dma_wait3A_684] : memref<50x4096x128xf32, #tpu.memory_space<hbm>> -> memref<1x64x128xf32, #tpu.memory_space<hbm>>
        %dma_wait3A_686 = tpu.memref_squeeze %dma_wait3A_685 : memref<1x64x128xf32, #tpu.memory_space<hbm>> -> memref<64x128xf32, #tpu.memory_space<hbm>>
        tpu.wait_dma2 semaphore(%arg23 : memref<!tpu.dma_semaphore, #tpu.memory_space<semaphore_mem>>) src(%arg13 : memref<64x128xf32, #tpu.memory_space<vmem>>) dst(%dma_wait3A_686 : memref<64x128xf32, #tpu.memory_space<hbm>>)
      } else {
      }
      %add3A_197 = arith.constant 3 : i32
      %add3A_198 = arith.addi %add3A_191, %add3A_197 : i32
      %lt3A_199 = arith.constant 100 : i32
      %lt3A_200 = arith.cmpi slt, %add3A_198, %lt3A_199 : i32
      %convert_element_type3A_201 = arith.extui %lt3A_200 : i1 to i32
      %cond3A_202 = arith.constant 0 : i32
      %cond3A_203 = arith.cmpi ne, %convert_element_type3A_201, %cond3A_202 : i32
      scf.if %cond3A_203 {
        %add3A_636 = arith.constant 3 : i32
        %add3A_637 = arith.addi %add3A_191, %add3A_636 : i32
        %jit3A_638 = arith.constant 2 : i32
        %div3A_639 = arith.divsi %add3A_637, %jit3A_638 : i32
        %sign3A_640 = arith.constant 0 : i32
        %sign3A_641 = arith.cmpi sgt, %add3A_637, %sign3A_640 : i32
        %sign3A_642 = arith.extui %sign3A_641 : i1 to i32
        %sign3A_643 = arith.constant 0 : i32
        %sign3A_644 = arith.cmpi slt, %add3A_637, %sign3A_643 : i32
        %sign3A_645 = arith.extui %sign3A_644 : i1 to i32
        %sign3A_646 = arith.subi %sign3A_642, %sign3A_645 : i32
        %sign3A_647 = arith.constant 0 : i32
        %sign3A_648 = arith.cmpi sgt, %jit3A_638, %sign3A_647 : i32
        %sign3A_649 = arith.extui %sign3A_648 : i1 to i32
        %sign3A_650 = arith.constant 0 : i32
        %sign3A_651 = arith.cmpi slt, %jit3A_638, %sign3A_650 : i32
        %sign3A_652 = arith.extui %sign3A_651 : i1 to i32
        %sign3A_653 = arith.subi %sign3A_649, %sign3A_652 : i32
        %ne3A_654 = arith.cmpi ne, %sign3A_646, %sign3A_653 : i32
        %rem3A_655 = arith.remsi %add3A_637, %jit3A_638 : i32
        %ne3A_656 = arith.constant 0 : i32
        %ne3A_657 = arith.cmpi ne, %rem3A_655, %ne3A_656 : i32
        %and3A_658 = arith.andi %ne3A_654, %ne3A_657 : i1
        %sub3A_659 = arith.constant 1 : i32
        %sub3A_660 = arith.subi %div3A_639, %sub3A_659 : i32
        %select_n3A_661 = arith.select %and3A_658, %sub3A_660, %div3A_639 : i32
        %jit3A_662 = arith.constant 2 : i32
        %eq3A_663 = arith.constant 0 : i32
        %eq3A_664 = arith.cmpi eq, %jit3A_662, %eq3A_663 : i32
        %jit3A_665 = arith.constant 1 : i32
        %select_n3A_666 = arith.select %eq3A_664, %jit3A_665, %jit3A_662 : i32
        %rem3A_667 = arith.remsi %add3A_637, %select_n3A_666 : i32
        %ne3A_668 = arith.constant 0 : i32
        %ne3A_669 = arith.cmpi ne, %rem3A_667, %ne3A_668 : i32
        %lt3A_670 = arith.constant 0 : i32
        %lt3A_671 = arith.cmpi slt, %rem3A_667, %lt3A_670 : i32
        %lt3A_672 = arith.constant 0 : i32
        %lt3A_673 = arith.cmpi slt, %select_n3A_666, %lt3A_672 : i32
        %ne3A_674 = arith.xori %lt3A_671, %lt3A_673 : i1
        %and3A_675 = arith.andi %ne3A_674, %ne3A_669 : i1
        %add3A_676 = arith.addi %rem3A_667, %select_n3A_666 : i32
        %select_n3A_677 = arith.select %and3A_675, %add3A_676, %rem3A_667 : i32
        %mul3A_678 = arith.constant 64 : i32
        %mul3A_679 = arith.muli %select_n3A_677, %mul3A_678 : i32
        %dma_start3A_680 = tpu.memref_slice %arg8[%select_n3A_661, %mul3A_679] : memref<50x128xi32, #tpu.memory_space<vmem>> -> memref<1x64xi32, #tpu.memory_space<vmem>>
        %dma_start3A_681 = tpu.memref_squeeze %dma_start3A_680 : memref<1x64xi32, #tpu.memory_space<vmem>> -> memref<64xi32, #tpu.memory_space<vmem>>
        %dma_start3A_682 = arith.constant 0 : i32
        %dma_start3A_683 = arith.constant 0 : i32
        %dma_start3A_684 = tpu.memref_slice %arg3[%dma_start3A_682, %dma_start3A_683] : memref<100000x128xf32, #tpu.memory_space<hbm>> -> memref<100000x128xf32, #tpu.memory_space<hbm>>
        tpu.enqueue_indirect_dma source(%dma_start3A_684 : memref<100000x128xf32, #tpu.memory_space<hbm>>) target(%arg13 : memref<64x128xf32, #tpu.memory_space<vmem>>) offsets(%dma_start3A_681 : memref<64xi32, #tpu.memory_space<vmem>>) semaphore(%arg18 : memref<!tpu.dma_semaphore, #tpu.memory_space<semaphore_mem>>)
      } else {
      }
      %jit3A_204 = arith.constant 2 : i32
      %div3A_205 = arith.divsi %add3A_191, %jit3A_204 : i32
      %sign3A_206 = arith.constant 0 : i32
      %sign3A_207 = arith.cmpi sgt, %add3A_191, %sign3A_206 : i32
      %sign3A_208 = arith.extui %sign3A_207 : i1 to i32
      %sign3A_209 = arith.constant 0 : i32
      %sign3A_210 = arith.cmpi slt, %add3A_191, %sign3A_209 : i32
      %sign3A_211 = arith.extui %sign3A_210 : i1 to i32
      %sign3A_212 = arith.subi %sign3A_208, %sign3A_211 : i32
      %sign3A_213 = arith.constant 0 : i32
      %sign3A_214 = arith.cmpi sgt, %jit3A_204, %sign3A_213 : i32
      %sign3A_215 = arith.extui %sign3A_214 : i1 to i32
      %sign3A_216 = arith.constant 0 : i32
      %sign3A_217 = arith.cmpi slt, %jit3A_204, %sign3A_216 : i32
      %sign3A_218 = arith.extui %sign3A_217 : i1 to i32
      %sign3A_219 = arith.subi %sign3A_215, %sign3A_218 : i32
      %ne3A_220 = arith.cmpi ne, %sign3A_212, %sign3A_219 : i32
      %rem3A_221 = arith.remsi %add3A_191, %jit3A_204 : i32
      %ne3A_222 = arith.constant 0 : i32
      %ne3A_223 = arith.cmpi ne, %rem3A_221, %ne3A_222 : i32
      %and3A_224 = arith.andi %ne3A_220, %ne3A_223 : i1
      %sub3A_225 = arith.constant 1 : i32
      %sub3A_226 = arith.subi %div3A_205, %sub3A_225 : i32
      %select_n3A_227 = arith.select %and3A_224, %sub3A_226, %div3A_205 : i32
      %jit3A_228 = arith.constant 2 : i32
      %eq3A_229 = arith.constant 0 : i32
      %eq3A_230 = arith.cmpi eq, %jit3A_228, %eq3A_229 : i32
      %jit3A_231 = arith.constant 1 : i32
      %select_n3A_232 = arith.select %eq3A_230, %jit3A_231, %jit3A_228 : i32
      %rem3A_233 = arith.remsi %add3A_191, %select_n3A_232 : i32
      %ne3A_234 = arith.constant 0 : i32
      %ne3A_235 = arith.cmpi ne, %rem3A_233, %ne3A_234 : i32
      %lt3A_236 = arith.constant 0 : i32
      %lt3A_237 = arith.cmpi slt, %rem3A_233, %lt3A_236 : i32
      %lt3A_238 = arith.constant 0 : i32
      %lt3A_239 = arith.cmpi slt, %select_n3A_232, %lt3A_238 : i32
      %ne3A_240 = arith.xori %lt3A_237, %lt3A_239 : i1
      %and3A_241 = arith.andi %ne3A_240, %ne3A_235 : i1
      %add3A_242 = arith.addi %rem3A_233, %select_n3A_232 : i32
      %select_n3A_243 = arith.select %and3A_241, %add3A_242, %rem3A_233 : i32
      %mul3A_244 = arith.constant 64 : i32
      %mul3A_245 = arith.muli %select_n3A_243, %mul3A_244 : i32
      %dma_wait3A_246 = tpu.memref_slice %arg8[%select_n3A_227, %mul3A_245] : memref<50x128xi32, #tpu.memory_space<vmem>> -> memref<1x64xi32, #tpu.memory_space<vmem>>
      %dma_wait3A_247 = tpu.memref_squeeze %dma_wait3A_246 : memref<1x64xi32, #tpu.memory_space<vmem>> -> memref<64xi32, #tpu.memory_space<vmem>>
      %dma_wait3A_248 = arith.constant 0 : i32
      %dma_wait3A_249 = arith.constant 0 : i32
      %dma_wait3A_250 = tpu.memref_slice %arg3[%dma_wait3A_248, %dma_wait3A_249] : memref<100000x128xf32, #tpu.memory_space<hbm>> -> memref<100000x128xf32, #tpu.memory_space<hbm>>
      tpu.wait_indirect_dma semaphore(%arg15 : memref<!tpu.dma_semaphore, #tpu.memory_space<semaphore_mem>>) src(%dma_wait3A_250 : memref<100000x128xf32, #tpu.memory_space<hbm>>) dst(%arg10 : memref<64x128xf32, #tpu.memory_space<vmem>>)
      %jit3A_251 = arith.constant 2 : i32
      %div3A_252 = arith.divsi %add3A_191, %jit3A_251 : i32
      %sign3A_253 = arith.constant 0 : i32
      %sign3A_254 = arith.cmpi sgt, %add3A_191, %sign3A_253 : i32
      %sign3A_255 = arith.extui %sign3A_254 : i1 to i32
      %sign3A_256 = arith.constant 0 : i32
      %sign3A_257 = arith.cmpi slt, %add3A_191, %sign3A_256 : i32
      %sign3A_258 = arith.extui %sign3A_257 : i1 to i32
      %sign3A_259 = arith.subi %sign3A_255, %sign3A_258 : i32
      %sign3A_260 = arith.constant 0 : i32
      %sign3A_261 = arith.cmpi sgt, %jit3A_251, %sign3A_260 : i32
      %sign3A_262 = arith.extui %sign3A_261 : i1 to i32
      %sign3A_263 = arith.constant 0 : i32
      %sign3A_264 = arith.cmpi slt, %jit3A_251, %sign3A_263 : i32
      %sign3A_265 = arith.extui %sign3A_264 : i1 to i32
      %sign3A_266 = arith.subi %sign3A_262, %sign3A_265 : i32
      %ne3A_267 = arith.cmpi ne, %sign3A_259, %sign3A_266 : i32
      %rem3A_268 = arith.remsi %add3A_191, %jit3A_251 : i32
      %ne3A_269 = arith.constant 0 : i32
      %ne3A_270 = arith.cmpi ne, %rem3A_268, %ne3A_269 : i32
      %and3A_271 = arith.andi %ne3A_267, %ne3A_270 : i1
      %sub3A_272 = arith.constant 1 : i32
      %sub3A_273 = arith.subi %div3A_252, %sub3A_272 : i32
      %select_n3A_274 = arith.select %and3A_271, %sub3A_273, %div3A_252 : i32
      %jit3A_275 = arith.constant 2 : i32
      %eq3A_276 = arith.constant 0 : i32
      %eq3A_277 = arith.cmpi eq, %jit3A_275, %eq3A_276 : i32
      %jit3A_278 = arith.constant 1 : i32
      %select_n3A_279 = arith.select %eq3A_277, %jit3A_278, %jit3A_275 : i32
      %rem3A_280 = arith.remsi %add3A_191, %select_n3A_279 : i32
      %ne3A_281 = arith.constant 0 : i32
      %ne3A_282 = arith.cmpi ne, %rem3A_280, %ne3A_281 : i32
      %lt3A_283 = arith.constant 0 : i32
      %lt3A_284 = arith.cmpi slt, %rem3A_280, %lt3A_283 : i32
      %lt3A_285 = arith.constant 0 : i32
      %lt3A_286 = arith.cmpi slt, %select_n3A_279, %lt3A_285 : i32
      %ne3A_287 = arith.xori %lt3A_284, %lt3A_286 : i1
      %and3A_288 = arith.andi %ne3A_287, %ne3A_282 : i1
      %add3A_289 = arith.addi %rem3A_280, %select_n3A_279 : i32
      %select_n3A_290 = arith.select %and3A_288, %add3A_289, %rem3A_280 : i32
      %mul3A_291 = arith.constant 64 : i32
      %mul3A_292 = arith.muli %select_n3A_290, %mul3A_291 : i32
      %add3A_293 = arith.addi %mul3A_2, %mul3A_292 : i32
      %dma_start3A_294 = arith.constant 0 : i32
      %dma_start3A_295 = tpu.memref_slice %arg7[%select_n3A_274, %add3A_293, %dma_start3A_294] : memref<50x4096x128xf32, #tpu.memory_space<hbm>> -> memref<1x64x128xf32, #tpu.memory_space<hbm>>
      %dma_start3A_296 = tpu.memref_squeeze %dma_start3A_295 : memref<1x64x128xf32, #tpu.memory_space<hbm>> -> memref<64x128xf32, #tpu.memory_space<hbm>>
      %dma_start3A_297 = arith.constant 0 : i32
      %dma_start3A_298 = tpu.memref_slice %arg7[%select_n3A_274, %add3A_293, %dma_start3A_297] : memref<50x4096x128xf32, #tpu.memory_space<hbm>> -> memref<1x64x128xf32, #tpu.memory_space<hbm>>
      %dma_start3A_299 = tpu.memref_squeeze %dma_start3A_298 : memref<1x64x128xf32, #tpu.memory_space<hbm>> -> memref<64x128xf32, #tpu.memory_space<hbm>>
      tpu.enqueue_dma source(%arg10 : memref<64x128xf32, #tpu.memory_space<vmem>>) target(%dma_start3A_299 : memref<64x128xf32, #tpu.memory_space<hbm>>) target_semaphore(%arg20 : memref<!tpu.dma_semaphore, #tpu.memory_space<semaphore_mem>>)
      %mul3A_300 = arith.constant 5 : i32
      %mul3A_301 = arith.muli %scan3A_88, %mul3A_300 : i32
      %add3A_302 = arith.constant 2 : i32
      %add3A_303 = arith.addi %mul3A_301, %add3A_302 : i32
      %ge3A_304 = arith.constant 2 : i32
      %ge3A_305 = arith.cmpi sge, %add3A_303, %ge3A_304 : i32
      %convert_element_type3A_306 = arith.extui %ge3A_305 : i1 to i32
      %cond3A_307 = arith.constant 0 : i32
      %cond3A_308 = arith.cmpi ne, %convert_element_type3A_306, %cond3A_307 : i32
      scf.if %cond3A_308 {
        %sub3A_636 = arith.constant 2 : i32
        %sub3A_637 = arith.subi %add3A_303, %sub3A_636 : i32
        %jit3A_638 = arith.constant 2 : i32
        %div3A_639 = arith.divsi %sub3A_637, %jit3A_638 : i32
        %sign3A_640 = arith.constant 0 : i32
        %sign3A_641 = arith.cmpi sgt, %sub3A_637, %sign3A_640 : i32
        %sign3A_642 = arith.extui %sign3A_641 : i1 to i32
        %sign3A_643 = arith.constant 0 : i32
        %sign3A_644 = arith.cmpi slt, %sub3A_637, %sign3A_643 : i32
        %sign3A_645 = arith.extui %sign3A_644 : i1 to i32
        %sign3A_646 = arith.subi %sign3A_642, %sign3A_645 : i32
        %sign3A_647 = arith.constant 0 : i32
        %sign3A_648 = arith.cmpi sgt, %jit3A_638, %sign3A_647 : i32
        %sign3A_649 = arith.extui %sign3A_648 : i1 to i32
        %sign3A_650 = arith.constant 0 : i32
        %sign3A_651 = arith.cmpi slt, %jit3A_638, %sign3A_650 : i32
        %sign3A_652 = arith.extui %sign3A_651 : i1 to i32
        %sign3A_653 = arith.subi %sign3A_649, %sign3A_652 : i32
        %ne3A_654 = arith.cmpi ne, %sign3A_646, %sign3A_653 : i32
        %rem3A_655 = arith.remsi %sub3A_637, %jit3A_638 : i32
        %ne3A_656 = arith.constant 0 : i32
        %ne3A_657 = arith.cmpi ne, %rem3A_655, %ne3A_656 : i32
        %and3A_658 = arith.andi %ne3A_654, %ne3A_657 : i1
        %sub3A_659 = arith.constant 1 : i32
        %sub3A_660 = arith.subi %div3A_639, %sub3A_659 : i32
        %select_n3A_661 = arith.select %and3A_658, %sub3A_660, %div3A_639 : i32
        %jit3A_662 = arith.constant 2 : i32
        %eq3A_663 = arith.constant 0 : i32
        %eq3A_664 = arith.cmpi eq, %jit3A_662, %eq3A_663 : i32
        %jit3A_665 = arith.constant 1 : i32
        %select_n3A_666 = arith.select %eq3A_664, %jit3A_665, %jit3A_662 : i32
        %rem3A_667 = arith.remsi %sub3A_637, %select_n3A_666 : i32
        %ne3A_668 = arith.constant 0 : i32
        %ne3A_669 = arith.cmpi ne, %rem3A_667, %ne3A_668 : i32
        %lt3A_670 = arith.constant 0 : i32
        %lt3A_671 = arith.cmpi slt, %rem3A_667, %lt3A_670 : i32
        %lt3A_672 = arith.constant 0 : i32
        %lt3A_673 = arith.cmpi slt, %select_n3A_666, %lt3A_672 : i32
        %ne3A_674 = arith.xori %lt3A_671, %lt3A_673 : i1
        %and3A_675 = arith.andi %ne3A_674, %ne3A_669 : i1
        %add3A_676 = arith.addi %rem3A_667, %select_n3A_666 : i32
        %select_n3A_677 = arith.select %and3A_675, %add3A_676, %rem3A_667 : i32
        %mul3A_678 = arith.constant 64 : i32
        %mul3A_679 = arith.muli %select_n3A_677, %mul3A_678 : i32
        %add3A_680 = arith.addi %mul3A_2, %mul3A_679 : i32
        %dma_wait3A_681 = arith.constant 0 : i32
        %dma_wait3A_682 = tpu.memref_slice %arg7[%select_n3A_661, %add3A_680, %dma_wait3A_681] : memref<50x4096x128xf32, #tpu.memory_space<hbm>> -> memref<1x64x128xf32, #tpu.memory_space<hbm>>
        %dma_wait3A_683 = tpu.memref_squeeze %dma_wait3A_682 : memref<1x64x128xf32, #tpu.memory_space<hbm>> -> memref<64x128xf32, #tpu.memory_space<hbm>>
        %dma_wait3A_684 = arith.constant 0 : i32
        %dma_wait3A_685 = tpu.memref_slice %arg7[%select_n3A_661, %add3A_680, %dma_wait3A_684] : memref<50x4096x128xf32, #tpu.memory_space<hbm>> -> memref<1x64x128xf32, #tpu.memory_space<hbm>>
        %dma_wait3A_686 = tpu.memref_squeeze %dma_wait3A_685 : memref<1x64x128xf32, #tpu.memory_space<hbm>> -> memref<64x128xf32, #tpu.memory_space<hbm>>
        tpu.wait_dma2 semaphore(%arg19 : memref<!tpu.dma_semaphore, #tpu.memory_space<semaphore_mem>>) src(%arg9 : memref<64x128xf32, #tpu.memory_space<vmem>>) dst(%dma_wait3A_686 : memref<64x128xf32, #tpu.memory_space<hbm>>)
      } else {
      }
      %add3A_309 = arith.constant 3 : i32
      %add3A_310 = arith.addi %add3A_303, %add3A_309 : i32
      %lt3A_311 = arith.constant 100 : i32
      %lt3A_312 = arith.cmpi slt, %add3A_310, %lt3A_311 : i32
      %convert_element_type3A_313 = arith.extui %lt3A_312 : i1 to i32
      %cond3A_314 = arith.constant 0 : i32
      %cond3A_315 = arith.cmpi ne, %convert_element_type3A_313, %cond3A_314 : i32
      scf.if %cond3A_315 {
        %add3A_636 = arith.constant 3 : i32
        %add3A_637 = arith.addi %add3A_303, %add3A_636 : i32
        %jit3A_638 = arith.constant 2 : i32
        %div3A_639 = arith.divsi %add3A_637, %jit3A_638 : i32
        %sign3A_640 = arith.constant 0 : i32
        %sign3A_641 = arith.cmpi sgt, %add3A_637, %sign3A_640 : i32
        %sign3A_642 = arith.extui %sign3A_641 : i1 to i32
        %sign3A_643 = arith.constant 0 : i32
        %sign3A_644 = arith.cmpi slt, %add3A_637, %sign3A_643 : i32
        %sign3A_645 = arith.extui %sign3A_644 : i1 to i32
        %sign3A_646 = arith.subi %sign3A_642, %sign3A_645 : i32
        %sign3A_647 = arith.constant 0 : i32
        %sign3A_648 = arith.cmpi sgt, %jit3A_638, %sign3A_647 : i32
        %sign3A_649 = arith.extui %sign3A_648 : i1 to i32
        %sign3A_650 = arith.constant 0 : i32
        %sign3A_651 = arith.cmpi slt, %jit3A_638, %sign3A_650 : i32
        %sign3A_652 = arith.extui %sign3A_651 : i1 to i32
        %sign3A_653 = arith.subi %sign3A_649, %sign3A_652 : i32
        %ne3A_654 = arith.cmpi ne, %sign3A_646, %sign3A_653 : i32
        %rem3A_655 = arith.remsi %add3A_637, %jit3A_638 : i32
        %ne3A_656 = arith.constant 0 : i32
        %ne3A_657 = arith.cmpi ne, %rem3A_655, %ne3A_656 : i32
        %and3A_658 = arith.andi %ne3A_654, %ne3A_657 : i1
        %sub3A_659 = arith.constant 1 : i32
        %sub3A_660 = arith.subi %div3A_639, %sub3A_659 : i32
        %select_n3A_661 = arith.select %and3A_658, %sub3A_660, %div3A_639 : i32
        %jit3A_662 = arith.constant 2 : i32
        %eq3A_663 = arith.constant 0 : i32
        %eq3A_664 = arith.cmpi eq, %jit3A_662, %eq3A_663 : i32
        %jit3A_665 = arith.constant 1 : i32
        %select_n3A_666 = arith.select %eq3A_664, %jit3A_665, %jit3A_662 : i32
        %rem3A_667 = arith.remsi %add3A_637, %select_n3A_666 : i32
        %ne3A_668 = arith.constant 0 : i32
        %ne3A_669 = arith.cmpi ne, %rem3A_667, %ne3A_668 : i32
        %lt3A_670 = arith.constant 0 : i32
        %lt3A_671 = arith.cmpi slt, %rem3A_667, %lt3A_670 : i32
        %lt3A_672 = arith.constant 0 : i32
        %lt3A_673 = arith.cmpi slt, %select_n3A_666, %lt3A_672 : i32
        %ne3A_674 = arith.xori %lt3A_671, %lt3A_673 : i1
        %and3A_675 = arith.andi %ne3A_674, %ne3A_669 : i1
        %add3A_676 = arith.addi %rem3A_667, %select_n3A_666 : i32
        %select_n3A_677 = arith.select %and3A_675, %add3A_676, %rem3A_667 : i32
        %mul3A_678 = arith.constant 64 : i32
        %mul3A_679 = arith.muli %select_n3A_677, %mul3A_678 : i32
        %dma_start3A_680 = tpu.memref_slice %arg8[%select_n3A_661, %mul3A_679] : memref<50x128xi32, #tpu.memory_space<vmem>> -> memref<1x64xi32, #tpu.memory_space<vmem>>
        %dma_start3A_681 = tpu.memref_squeeze %dma_start3A_680 : memref<1x64xi32, #tpu.memory_space<vmem>> -> memref<64xi32, #tpu.memory_space<vmem>>
        %dma_start3A_682 = arith.constant 0 : i32
        %dma_start3A_683 = arith.constant 0 : i32
        %dma_start3A_684 = tpu.memref_slice %arg3[%dma_start3A_682, %dma_start3A_683] : memref<100000x128xf32, #tpu.memory_space<hbm>> -> memref<100000x128xf32, #tpu.memory_space<hbm>>
        tpu.enqueue_indirect_dma source(%dma_start3A_684 : memref<100000x128xf32, #tpu.memory_space<hbm>>) target(%arg9 : memref<64x128xf32, #tpu.memory_space<vmem>>) offsets(%dma_start3A_681 : memref<64xi32, #tpu.memory_space<vmem>>) semaphore(%arg14 : memref<!tpu.dma_semaphore, #tpu.memory_space<semaphore_mem>>)
      } else {
      }
      %jit3A_316 = arith.constant 2 : i32
      %div3A_317 = arith.divsi %add3A_303, %jit3A_316 : i32
      %sign3A_318 = arith.constant 0 : i32
      %sign3A_319 = arith.cmpi sgt, %add3A_303, %sign3A_318 : i32
      %sign3A_320 = arith.extui %sign3A_319 : i1 to i32
      %sign3A_321 = arith.constant 0 : i32
      %sign3A_322 = arith.cmpi slt, %add3A_303, %sign3A_321 : i32
      %sign3A_323 = arith.extui %sign3A_322 : i1 to i32
      %sign3A_324 = arith.subi %sign3A_320, %sign3A_323 : i32
      %sign3A_325 = arith.constant 0 : i32
      %sign3A_326 = arith.cmpi sgt, %jit3A_316, %sign3A_325 : i32
      %sign3A_327 = arith.extui %sign3A_326 : i1 to i32
      %sign3A_328 = arith.constant 0 : i32
      %sign3A_329 = arith.cmpi slt, %jit3A_316, %sign3A_328 : i32
      %sign3A_330 = arith.extui %sign3A_329 : i1 to i32
      %sign3A_331 = arith.subi %sign3A_327, %sign3A_330 : i32
      %ne3A_332 = arith.cmpi ne, %sign3A_324, %sign3A_331 : i32
      %rem3A_333 = arith.remsi %add3A_303, %jit3A_316 : i32
      %ne3A_334 = arith.constant 0 : i32
      %ne3A_335 = arith.cmpi ne, %rem3A_333, %ne3A_334 : i32
      %and3A_336 = arith.andi %ne3A_332, %ne3A_335 : i1
      %sub3A_337 = arith.constant 1 : i32
      %sub3A_338 = arith.subi %div3A_317, %sub3A_337 : i32
      %select_n3A_339 = arith.select %and3A_336, %sub3A_338, %div3A_317 : i32
      %jit3A_340 = arith.constant 2 : i32
      %eq3A_341 = arith.constant 0 : i32
      %eq3A_342 = arith.cmpi eq, %jit3A_340, %eq3A_341 : i32
      %jit3A_343 = arith.constant 1 : i32
      %select_n3A_344 = arith.select %eq3A_342, %jit3A_343, %jit3A_340 : i32
      %rem3A_345 = arith.remsi %add3A_303, %select_n3A_344 : i32
      %ne3A_346 = arith.constant 0 : i32
      %ne3A_347 = arith.cmpi ne, %rem3A_345, %ne3A_346 : i32
      %lt3A_348 = arith.constant 0 : i32
      %lt3A_349 = arith.cmpi slt, %rem3A_345, %lt3A_348 : i32
      %lt3A_350 = arith.constant 0 : i32
      %lt3A_351 = arith.cmpi slt, %select_n3A_344, %lt3A_350 : i32
      %ne3A_352 = arith.xori %lt3A_349, %lt3A_351 : i1
      %and3A_353 = arith.andi %ne3A_352, %ne3A_347 : i1
      %add3A_354 = arith.addi %rem3A_345, %select_n3A_344 : i32
      %select_n3A_355 = arith.select %and3A_353, %add3A_354, %rem3A_345 : i32
      %mul3A_356 = arith.constant 64 : i32
      %mul3A_357 = arith.muli %select_n3A_355, %mul3A_356 : i32
      %dma_wait3A_358 = tpu.memref_slice %arg8[%select_n3A_339, %mul3A_357] : memref<50x128xi32, #tpu.memory_space<vmem>> -> memref<1x64xi32, #tpu.memory_space<vmem>>
      %dma_wait3A_359 = tpu.memref_squeeze %dma_wait3A_358 : memref<1x64xi32, #tpu.memory_space<vmem>> -> memref<64xi32, #tpu.memory_space<vmem>>
      %dma_wait3A_360 = arith.constant 0 : i32
      %dma_wait3A_361 = arith.constant 0 : i32
      %dma_wait3A_362 = tpu.memref_slice %arg3[%dma_wait3A_360, %dma_wait3A_361] : memref<100000x128xf32, #tpu.memory_space<hbm>> -> memref<100000x128xf32, #tpu.memory_space<hbm>>
      tpu.wait_indirect_dma semaphore(%arg16 : memref<!tpu.dma_semaphore, #tpu.memory_space<semaphore_mem>>) src(%dma_wait3A_362 : memref<100000x128xf32, #tpu.memory_space<hbm>>) dst(%arg11 : memref<64x128xf32, #tpu.memory_space<vmem>>)
      %jit3A_363 = arith.constant 2 : i32
      %div3A_364 = arith.divsi %add3A_303, %jit3A_363 : i32
      %sign3A_365 = arith.constant 0 : i32
      %sign3A_366 = arith.cmpi sgt, %add3A_303, %sign3A_365 : i32
      %sign3A_367 = arith.extui %sign3A_366 : i1 to i32
      %sign3A_368 = arith.constant 0 : i32
      %sign3A_369 = arith.cmpi slt, %add3A_303, %sign3A_368 : i32
      %sign3A_370 = arith.extui %sign3A_369 : i1 to i32
      %sign3A_371 = arith.subi %sign3A_367, %sign3A_370 : i32
      %sign3A_372 = arith.constant 0 : i32
      %sign3A_373 = arith.cmpi sgt, %jit3A_363, %sign3A_372 : i32
      %sign3A_374 = arith.extui %sign3A_373 : i1 to i32
      %sign3A_375 = arith.constant 0 : i32
      %sign3A_376 = arith.cmpi slt, %jit3A_363, %sign3A_375 : i32
      %sign3A_377 = arith.extui %sign3A_376 : i1 to i32
      %sign3A_378 = arith.subi %sign3A_374, %sign3A_377 : i32
      %ne3A_379 = arith.cmpi ne, %sign3A_371, %sign3A_378 : i32
      %rem3A_380 = arith.remsi %add3A_303, %jit3A_363 : i32
      %ne3A_381 = arith.constant 0 : i32
      %ne3A_382 = arith.cmpi ne, %rem3A_380, %ne3A_381 : i32
      %and3A_383 = arith.andi %ne3A_379, %ne3A_382 : i1
      %sub3A_384 = arith.constant 1 : i32
      %sub3A_385 = arith.subi %div3A_364, %sub3A_384 : i32
      %select_n3A_386 = arith.select %and3A_383, %sub3A_385, %div3A_364 : i32
      %jit3A_387 = arith.constant 2 : i32
      %eq3A_388 = arith.constant 0 : i32
      %eq3A_389 = arith.cmpi eq, %jit3A_387, %eq3A_388 : i32
      %jit3A_390 = arith.constant 1 : i32
      %select_n3A_391 = arith.select %eq3A_389, %jit3A_390, %jit3A_387 : i32
      %rem3A_392 = arith.remsi %add3A_303, %select_n3A_391 : i32
      %ne3A_393 = arith.constant 0 : i32
      %ne3A_394 = arith.cmpi ne, %rem3A_392, %ne3A_393 : i32
      %lt3A_395 = arith.constant 0 : i32
      %lt3A_396 = arith.cmpi slt, %rem3A_392, %lt3A_395 : i32
      %lt3A_397 = arith.constant 0 : i32
      %lt3A_398 = arith.cmpi slt, %select_n3A_391, %lt3A_397 : i32
      %ne3A_399 = arith.xori %lt3A_396, %lt3A_398 : i1
      %and3A_400 = arith.andi %ne3A_399, %ne3A_394 : i1
      %add3A_401 = arith.addi %rem3A_392, %select_n3A_391 : i32
      %select_n3A_402 = arith.select %and3A_400, %add3A_401, %rem3A_392 : i32
      %mul3A_403 = arith.constant 64 : i32
      %mul3A_404 = arith.muli %select_n3A_402, %mul3A_403 : i32
      %add3A_405 = arith.addi %mul3A_2, %mul3A_404 : i32
      %dma_start3A_406 = arith.constant 0 : i32
      %dma_start3A_407 = tpu.memref_slice %arg7[%select_n3A_386, %add3A_405, %dma_start3A_406] : memref<50x4096x128xf32, #tpu.memory_space<hbm>> -> memref<1x64x128xf32, #tpu.memory_space<hbm>>
      %dma_start3A_408 = tpu.memref_squeeze %dma_start3A_407 : memref<1x64x128xf32, #tpu.memory_space<hbm>> -> memref<64x128xf32, #tpu.memory_space<hbm>>
      %dma_start3A_409 = arith.constant 0 : i32
      %dma_start3A_410 = tpu.memref_slice %arg7[%select_n3A_386, %add3A_405, %dma_start3A_409] : memref<50x4096x128xf32, #tpu.memory_space<hbm>> -> memref<1x64x128xf32, #tpu.memory_space<hbm>>
      %dma_start3A_411 = tpu.memref_squeeze %dma_start3A_410 : memref<1x64x128xf32, #tpu.memory_space<hbm>> -> memref<64x128xf32, #tpu.memory_space<hbm>>
      tpu.enqueue_dma source(%arg11 : memref<64x128xf32, #tpu.memory_space<vmem>>) target(%dma_start3A_411 : memref<64x128xf32, #tpu.memory_space<hbm>>) target_semaphore(%arg21 : memref<!tpu.dma_semaphore, #tpu.memory_space<semaphore_mem>>)
      %mul3A_412 = arith.constant 5 : i32
      %mul3A_413 = arith.muli %scan3A_88, %mul3A_412 : i32
      %add3A_414 = arith.constant 3 : i32
      %add3A_415 = arith.addi %mul3A_413, %add3A_414 : i32
      %ge3A_416 = arith.constant 2 : i32
      %ge3A_417 = arith.cmpi sge, %add3A_415, %ge3A_416 : i32
      %convert_element_type3A_418 = arith.extui %ge3A_417 : i1 to i32
      %cond3A_419 = arith.constant 0 : i32
      %cond3A_420 = arith.cmpi ne, %convert_element_type3A_418, %cond3A_419 : i32
      scf.if %cond3A_420 {
        %sub3A_636 = arith.constant 2 : i32
        %sub3A_637 = arith.subi %add3A_415, %sub3A_636 : i32
        %jit3A_638 = arith.constant 2 : i32
        %div3A_639 = arith.divsi %sub3A_637, %jit3A_638 : i32
        %sign3A_640 = arith.constant 0 : i32
        %sign3A_641 = arith.cmpi sgt, %sub3A_637, %sign3A_640 : i32
        %sign3A_642 = arith.extui %sign3A_641 : i1 to i32
        %sign3A_643 = arith.constant 0 : i32
        %sign3A_644 = arith.cmpi slt, %sub3A_637, %sign3A_643 : i32
        %sign3A_645 = arith.extui %sign3A_644 : i1 to i32
        %sign3A_646 = arith.subi %sign3A_642, %sign3A_645 : i32
        %sign3A_647 = arith.constant 0 : i32
        %sign3A_648 = arith.cmpi sgt, %jit3A_638, %sign3A_647 : i32
        %sign3A_649 = arith.extui %sign3A_648 : i1 to i32
        %sign3A_650 = arith.constant 0 : i32
        %sign3A_651 = arith.cmpi slt, %jit3A_638, %sign3A_650 : i32
        %sign3A_652 = arith.extui %sign3A_651 : i1 to i32
        %sign3A_653 = arith.subi %sign3A_649, %sign3A_652 : i32
        %ne3A_654 = arith.cmpi ne, %sign3A_646, %sign3A_653 : i32
        %rem3A_655 = arith.remsi %sub3A_637, %jit3A_638 : i32
        %ne3A_656 = arith.constant 0 : i32
        %ne3A_657 = arith.cmpi ne, %rem3A_655, %ne3A_656 : i32
        %and3A_658 = arith.andi %ne3A_654, %ne3A_657 : i1
        %sub3A_659 = arith.constant 1 : i32
        %sub3A_660 = arith.subi %div3A_639, %sub3A_659 : i32
        %select_n3A_661 = arith.select %and3A_658, %sub3A_660, %div3A_639 : i32
        %jit3A_662 = arith.constant 2 : i32
        %eq3A_663 = arith.constant 0 : i32
        %eq3A_664 = arith.cmpi eq, %jit3A_662, %eq3A_663 : i32
        %jit3A_665 = arith.constant 1 : i32
        %select_n3A_666 = arith.select %eq3A_664, %jit3A_665, %jit3A_662 : i32
        %rem3A_667 = arith.remsi %sub3A_637, %select_n3A_666 : i32
        %ne3A_668 = arith.constant 0 : i32
        %ne3A_669 = arith.cmpi ne, %rem3A_667, %ne3A_668 : i32
        %lt3A_670 = arith.constant 0 : i32
        %lt3A_671 = arith.cmpi slt, %rem3A_667, %lt3A_670 : i32
        %lt3A_672 = arith.constant 0 : i32
        %lt3A_673 = arith.cmpi slt, %select_n3A_666, %lt3A_672 : i32
        %ne3A_674 = arith.xori %lt3A_671, %lt3A_673 : i1
        %and3A_675 = arith.andi %ne3A_674, %ne3A_669 : i1
        %add3A_676 = arith.addi %rem3A_667, %select_n3A_666 : i32
        %select_n3A_677 = arith.select %and3A_675, %add3A_676, %rem3A_667 : i32
        %mul3A_678 = arith.constant 64 : i32
        %mul3A_679 = arith.muli %select_n3A_677, %mul3A_678 : i32
        %add3A_680 = arith.addi %mul3A_2, %mul3A_679 : i32
        %dma_wait3A_681 = arith.constant 0 : i32
        %dma_wait3A_682 = tpu.memref_slice %arg7[%select_n3A_661, %add3A_680, %dma_wait3A_681] : memref<50x4096x128xf32, #tpu.memory_space<hbm>> -> memref<1x64x128xf32, #tpu.memory_space<hbm>>
        %dma_wait3A_683 = tpu.memref_squeeze %dma_wait3A_682 : memref<1x64x128xf32, #tpu.memory_space<hbm>> -> memref<64x128xf32, #tpu.memory_space<hbm>>
        %dma_wait3A_684 = arith.constant 0 : i32
        %dma_wait3A_685 = tpu.memref_slice %arg7[%select_n3A_661, %add3A_680, %dma_wait3A_684] : memref<50x4096x128xf32, #tpu.memory_space<hbm>> -> memref<1x64x128xf32, #tpu.memory_space<hbm>>
        %dma_wait3A_686 = tpu.memref_squeeze %dma_wait3A_685 : memref<1x64x128xf32, #tpu.memory_space<hbm>> -> memref<64x128xf32, #tpu.memory_space<hbm>>
        tpu.wait_dma2 semaphore(%arg20 : memref<!tpu.dma_semaphore, #tpu.memory_space<semaphore_mem>>) src(%arg10 : memref<64x128xf32, #tpu.memory_space<vmem>>) dst(%dma_wait3A_686 : memref<64x128xf32, #tpu.memory_space<hbm>>)
      } else {
      }
      %add3A_421 = arith.constant 3 : i32
      %add3A_422 = arith.addi %add3A_415, %add3A_421 : i32
      %lt3A_423 = arith.constant 100 : i32
      %lt3A_424 = arith.cmpi slt, %add3A_422, %lt3A_423 : i32
      %convert_element_type3A_425 = arith.extui %lt3A_424 : i1 to i32
      %cond3A_426 = arith.constant 0 : i32
      %cond3A_427 = arith.cmpi ne, %convert_element_type3A_425, %cond3A_426 : i32
      scf.if %cond3A_427 {
        %add3A_636 = arith.constant 3 : i32
        %add3A_637 = arith.addi %add3A_415, %add3A_636 : i32
        %jit3A_638 = arith.constant 2 : i32
        %div3A_639 = arith.divsi %add3A_637, %jit3A_638 : i32
        %sign3A_640 = arith.constant 0 : i32
        %sign3A_641 = arith.cmpi sgt, %add3A_637, %sign3A_640 : i32
        %sign3A_642 = arith.extui %sign3A_641 : i1 to i32
        %sign3A_643 = arith.constant 0 : i32
        %sign3A_644 = arith.cmpi slt, %add3A_637, %sign3A_643 : i32
        %sign3A_645 = arith.extui %sign3A_644 : i1 to i32
        %sign3A_646 = arith.subi %sign3A_642, %sign3A_645 : i32
        %sign3A_647 = arith.constant 0 : i32
        %sign3A_648 = arith.cmpi sgt, %jit3A_638, %sign3A_647 : i32
        %sign3A_649 = arith.extui %sign3A_648 : i1 to i32
        %sign3A_650 = arith.constant 0 : i32
        %sign3A_651 = arith.cmpi slt, %jit3A_638, %sign3A_650 : i32
        %sign3A_652 = arith.extui %sign3A_651 : i1 to i32
        %sign3A_653 = arith.subi %sign3A_649, %sign3A_652 : i32
        %ne3A_654 = arith.cmpi ne, %sign3A_646, %sign3A_653 : i32
        %rem3A_655 = arith.remsi %add3A_637, %jit3A_638 : i32
        %ne3A_656 = arith.constant 0 : i32
        %ne3A_657 = arith.cmpi ne, %rem3A_655, %ne3A_656 : i32
        %and3A_658 = arith.andi %ne3A_654, %ne3A_657 : i1
        %sub3A_659 = arith.constant 1 : i32
        %sub3A_660 = arith.subi %div3A_639, %sub3A_659 : i32
        %select_n3A_661 = arith.select %and3A_658, %sub3A_660, %div3A_639 : i32
        %jit3A_662 = arith.constant 2 : i32
        %eq3A_663 = arith.constant 0 : i32
        %eq3A_664 = arith.cmpi eq, %jit3A_662, %eq3A_663 : i32
        %jit3A_665 = arith.constant 1 : i32
        %select_n3A_666 = arith.select %eq3A_664, %jit3A_665, %jit3A_662 : i32
        %rem3A_667 = arith.remsi %add3A_637, %select_n3A_666 : i32
        %ne3A_668 = arith.constant 0 : i32
        %ne3A_669 = arith.cmpi ne, %rem3A_667, %ne3A_668 : i32
        %lt3A_670 = arith.constant 0 : i32
        %lt3A_671 = arith.cmpi slt, %rem3A_667, %lt3A_670 : i32
        %lt3A_672 = arith.constant 0 : i32
        %lt3A_673 = arith.cmpi slt, %select_n3A_666, %lt3A_672 : i32
        %ne3A_674 = arith.xori %lt3A_671, %lt3A_673 : i1
        %and3A_675 = arith.andi %ne3A_674, %ne3A_669 : i1
        %add3A_676 = arith.addi %rem3A_667, %select_n3A_666 : i32
        %select_n3A_677 = arith.select %and3A_675, %add3A_676, %rem3A_667 : i32
        %mul3A_678 = arith.constant 64 : i32
        %mul3A_679 = arith.muli %select_n3A_677, %mul3A_678 : i32
        %dma_start3A_680 = tpu.memref_slice %arg8[%select_n3A_661, %mul3A_679] : memref<50x128xi32, #tpu.memory_space<vmem>> -> memref<1x64xi32, #tpu.memory_space<vmem>>
        %dma_start3A_681 = tpu.memref_squeeze %dma_start3A_680 : memref<1x64xi32, #tpu.memory_space<vmem>> -> memref<64xi32, #tpu.memory_space<vmem>>
        %dma_start3A_682 = arith.constant 0 : i32
        %dma_start3A_683 = arith.constant 0 : i32
        %dma_start3A_684 = tpu.memref_slice %arg3[%dma_start3A_682, %dma_start3A_683] : memref<100000x128xf32, #tpu.memory_space<hbm>> -> memref<100000x128xf32, #tpu.memory_space<hbm>>
        tpu.enqueue_indirect_dma source(%dma_start3A_684 : memref<100000x128xf32, #tpu.memory_space<hbm>>) target(%arg10 : memref<64x128xf32, #tpu.memory_space<vmem>>) offsets(%dma_start3A_681 : memref<64xi32, #tpu.memory_space<vmem>>) semaphore(%arg15 : memref<!tpu.dma_semaphore, #tpu.memory_space<semaphore_mem>>)
      } else {
      }
      %jit3A_428 = arith.constant 2 : i32
      %div3A_429 = arith.divsi %add3A_415, %jit3A_428 : i32
      %sign3A_430 = arith.constant 0 : i32
      %sign3A_431 = arith.cmpi sgt, %add3A_415, %sign3A_430 : i32
      %sign3A_432 = arith.extui %sign3A_431 : i1 to i32
      %sign3A_433 = arith.constant 0 : i32
      %sign3A_434 = arith.cmpi slt, %add3A_415, %sign3A_433 : i32
      %sign3A_435 = arith.extui %sign3A_434 : i1 to i32
      %sign3A_436 = arith.subi %sign3A_432, %sign3A_435 : i32
      %sign3A_437 = arith.constant 0 : i32
      %sign3A_438 = arith.cmpi sgt, %jit3A_428, %sign3A_437 : i32
      %sign3A_439 = arith.extui %sign3A_438 : i1 to i32
      %sign3A_440 = arith.constant 0 : i32
      %sign3A_441 = arith.cmpi slt, %jit3A_428, %sign3A_440 : i32
      %sign3A_442 = arith.extui %sign3A_441 : i1 to i32
      %sign3A_443 = arith.subi %sign3A_439, %sign3A_442 : i32
      %ne3A_444 = arith.cmpi ne, %sign3A_436, %sign3A_443 : i32
      %rem3A_445 = arith.remsi %add3A_415, %jit3A_428 : i32
      %ne3A_446 = arith.constant 0 : i32
      %ne3A_447 = arith.cmpi ne, %rem3A_445, %ne3A_446 : i32
      %and3A_448 = arith.andi %ne3A_444, %ne3A_447 : i1
      %sub3A_449 = arith.constant 1 : i32
      %sub3A_450 = arith.subi %div3A_429, %sub3A_449 : i32
      %select_n3A_451 = arith.select %and3A_448, %sub3A_450, %div3A_429 : i32
      %jit3A_452 = arith.constant 2 : i32
      %eq3A_453 = arith.constant 0 : i32
      %eq3A_454 = arith.cmpi eq, %jit3A_452, %eq3A_453 : i32
      %jit3A_455 = arith.constant 1 : i32
      %select_n3A_456 = arith.select %eq3A_454, %jit3A_455, %jit3A_452 : i32
      %rem3A_457 = arith.remsi %add3A_415, %select_n3A_456 : i32
      %ne3A_458 = arith.constant 0 : i32
      %ne3A_459 = arith.cmpi ne, %rem3A_457, %ne3A_458 : i32
      %lt3A_460 = arith.constant 0 : i32
      %lt3A_461 = arith.cmpi slt, %rem3A_457, %lt3A_460 : i32
      %lt3A_462 = arith.constant 0 : i32
      %lt3A_463 = arith.cmpi slt, %select_n3A_456, %lt3A_462 : i32
      %ne3A_464 = arith.xori %lt3A_461, %lt3A_463 : i1
      %and3A_465 = arith.andi %ne3A_464, %ne3A_459 : i1
      %add3A_466 = arith.addi %rem3A_457, %select_n3A_456 : i32
      %select_n3A_467 = arith.select %and3A_465, %add3A_466, %rem3A_457 : i32
      %mul3A_468 = arith.constant 64 : i32
      %mul3A_469 = arith.muli %select_n3A_467, %mul3A_468 : i32
      %dma_wait3A_470 = tpu.memref_slice %arg8[%select_n3A_451, %mul3A_469] : memref<50x128xi32, #tpu.memory_space<vmem>> -> memref<1x64xi32, #tpu.memory_space<vmem>>
      %dma_wait3A_471 = tpu.memref_squeeze %dma_wait3A_470 : memref<1x64xi32, #tpu.memory_space<vmem>> -> memref<64xi32, #tpu.memory_space<vmem>>
      %dma_wait3A_472 = arith.constant 0 : i32
      %dma_wait3A_473 = arith.constant 0 : i32
      %dma_wait3A_474 = tpu.memref_slice %arg3[%dma_wait3A_472, %dma_wait3A_473] : memref<100000x128xf32, #tpu.memory_space<hbm>> -> memref<100000x128xf32, #tpu.memory_space<hbm>>
      tpu.wait_indirect_dma semaphore(%arg17 : memref<!tpu.dma_semaphore, #tpu.memory_space<semaphore_mem>>) src(%dma_wait3A_474 : memref<100000x128xf32, #tpu.memory_space<hbm>>) dst(%arg12 : memref<64x128xf32, #tpu.memory_space<vmem>>)
      %jit3A_475 = arith.constant 2 : i32
      %div3A_476 = arith.divsi %add3A_415, %jit3A_475 : i32
      %sign3A_477 = arith.constant 0 : i32
      %sign3A_478 = arith.cmpi sgt, %add3A_415, %sign3A_477 : i32
      %sign3A_479 = arith.extui %sign3A_478 : i1 to i32
      %sign3A_480 = arith.constant 0 : i32
      %sign3A_481 = arith.cmpi slt, %add3A_415, %sign3A_480 : i32
      %sign3A_482 = arith.extui %sign3A_481 : i1 to i32
      %sign3A_483 = arith.subi %sign3A_479, %sign3A_482 : i32
      %sign3A_484 = arith.constant 0 : i32
      %sign3A_485 = arith.cmpi sgt, %jit3A_475, %sign3A_484 : i32
      %sign3A_486 = arith.extui %sign3A_485 : i1 to i32
      %sign3A_487 = arith.constant 0 : i32
      %sign3A_488 = arith.cmpi slt, %jit3A_475, %sign3A_487 : i32
      %sign3A_489 = arith.extui %sign3A_488 : i1 to i32
      %sign3A_490 = arith.subi %sign3A_486, %sign3A_489 : i32
      %ne3A_491 = arith.cmpi ne, %sign3A_483, %sign3A_490 : i32
      %rem3A_492 = arith.remsi %add3A_415, %jit3A_475 : i32
      %ne3A_493 = arith.constant 0 : i32
      %ne3A_494 = arith.cmpi ne, %rem3A_492, %ne3A_493 : i32
      %and3A_495 = arith.andi %ne3A_491, %ne3A_494 : i1
      %sub3A_496 = arith.constant 1 : i32
      %sub3A_497 = arith.subi %div3A_476, %sub3A_496 : i32
      %select_n3A_498 = arith.select %and3A_495, %sub3A_497, %div3A_476 : i32
      %jit3A_499 = arith.constant 2 : i32
      %eq3A_500 = arith.constant 0 : i32
      %eq3A_501 = arith.cmpi eq, %jit3A_499, %eq3A_500 : i32
      %jit3A_502 = arith.constant 1 : i32
      %select_n3A_503 = arith.select %eq3A_501, %jit3A_502, %jit3A_499 : i32
      %rem3A_504 = arith.remsi %add3A_415, %select_n3A_503 : i32
      %ne3A_505 = arith.constant 0 : i32
      %ne3A_506 = arith.cmpi ne, %rem3A_504, %ne3A_505 : i32
      %lt3A_507 = arith.constant 0 : i32
      %lt3A_508 = arith.cmpi slt, %rem3A_504, %lt3A_507 : i32
      %lt3A_509 = arith.constant 0 : i32
      %lt3A_510 = arith.cmpi slt, %select_n3A_503, %lt3A_509 : i32
      %ne3A_511 = arith.xori %lt3A_508, %lt3A_510 : i1
      %and3A_512 = arith.andi %ne3A_511, %ne3A_506 : i1
      %add3A_513 = arith.addi %rem3A_504, %select_n3A_503 : i32
      %select_n3A_514 = arith.select %and3A_512, %add3A_513, %rem3A_504 : i32
      %mul3A_515 = arith.constant 64 : i32
      %mul3A_516 = arith.muli %select_n3A_514, %mul3A_515 : i32
      %add3A_517 = arith.addi %mul3A_2, %mul3A_516 : i32
      %dma_start3A_518 = arith.constant 0 : i32
      %dma_start3A_519 = tpu.memref_slice %arg7[%select_n3A_498, %add3A_517, %dma_start3A_518] : memref<50x4096x128xf32, #tpu.memory_space<hbm>> -> memref<1x64x128xf32, #tpu.memory_space<hbm>>
      %dma_start3A_520 = tpu.memref_squeeze %dma_start3A_519 : memref<1x64x128xf32, #tpu.memory_space<hbm>> -> memref<64x128xf32, #tpu.memory_space<hbm>>
      %dma_start3A_521 = arith.constant 0 : i32
      %dma_start3A_522 = tpu.memref_slice %arg7[%select_n3A_498, %add3A_517, %dma_start3A_521] : memref<50x4096x128xf32, #tpu.memory_space<hbm>> -> memref<1x64x128xf32, #tpu.memory_space<hbm>>
      %dma_start3A_523 = tpu.memref_squeeze %dma_start3A_522 : memref<1x64x128xf32, #tpu.memory_space<hbm>> -> memref<64x128xf32, #tpu.memory_space<hbm>>
      tpu.enqueue_dma source(%arg12 : memref<64x128xf32, #tpu.memory_space<vmem>>) target(%dma_start3A_523 : memref<64x128xf32, #tpu.memory_space<hbm>>) target_semaphore(%arg22 : memref<!tpu.dma_semaphore, #tpu.memory_space<semaphore_mem>>)
      %mul3A_524 = arith.constant 5 : i32
      %mul3A_525 = arith.muli %scan3A_88, %mul3A_524 : i32
      %add3A_526 = arith.constant 4 : i32
      %add3A_527 = arith.addi %mul3A_525, %add3A_526 : i32
      %ge3A_528 = arith.constant 2 : i32
      %ge3A_529 = arith.cmpi sge, %add3A_527, %ge3A_528 : i32
      %convert_element_type3A_530 = arith.extui %ge3A_529 : i1 to i32
      %cond3A_531 = arith.constant 0 : i32
      %cond3A_532 = arith.cmpi ne, %convert_element_type3A_530, %cond3A_531 : i32
      scf.if %cond3A_532 {
        %sub3A_636 = arith.constant 2 : i32
        %sub3A_637 = arith.subi %add3A_527, %sub3A_636 : i32
        %jit3A_638 = arith.constant 2 : i32
        %div3A_639 = arith.divsi %sub3A_637, %jit3A_638 : i32
        %sign3A_640 = arith.constant 0 : i32
        %sign3A_641 = arith.cmpi sgt, %sub3A_637, %sign3A_640 : i32
        %sign3A_642 = arith.extui %sign3A_641 : i1 to i32
        %sign3A_643 = arith.constant 0 : i32
        %sign3A_644 = arith.cmpi slt, %sub3A_637, %sign3A_643 : i32
        %sign3A_645 = arith.extui %sign3A_644 : i1 to i32
        %sign3A_646 = arith.subi %sign3A_642, %sign3A_645 : i32
        %sign3A_647 = arith.constant 0 : i32
        %sign3A_648 = arith.cmpi sgt, %jit3A_638, %sign3A_647 : i32
        %sign3A_649 = arith.extui %sign3A_648 : i1 to i32
        %sign3A_650 = arith.constant 0 : i32
        %sign3A_651 = arith.cmpi slt, %jit3A_638, %sign3A_650 : i32
        %sign3A_652 = arith.extui %sign3A_651 : i1 to i32
        %sign3A_653 = arith.subi %sign3A_649, %sign3A_652 : i32
        %ne3A_654 = arith.cmpi ne, %sign3A_646, %sign3A_653 : i32
        %rem3A_655 = arith.remsi %sub3A_637, %jit3A_638 : i32
        %ne3A_656 = arith.constant 0 : i32
        %ne3A_657 = arith.cmpi ne, %rem3A_655, %ne3A_656 : i32
        %and3A_658 = arith.andi %ne3A_654, %ne3A_657 : i1
        %sub3A_659 = arith.constant 1 : i32
        %sub3A_660 = arith.subi %div3A_639, %sub3A_659 : i32
        %select_n3A_661 = arith.select %and3A_658, %sub3A_660, %div3A_639 : i32
        %jit3A_662 = arith.constant 2 : i32
        %eq3A_663 = arith.constant 0 : i32
        %eq3A_664 = arith.cmpi eq, %jit3A_662, %eq3A_663 : i32
        %jit3A_665 = arith.constant 1 : i32
        %select_n3A_666 = arith.select %eq3A_664, %jit3A_665, %jit3A_662 : i32
        %rem3A_667 = arith.remsi %sub3A_637, %select_n3A_666 : i32
        %ne3A_668 = arith.constant 0 : i32
        %ne3A_669 = arith.cmpi ne, %rem3A_667, %ne3A_668 : i32
        %lt3A_670 = arith.constant 0 : i32
        %lt3A_671 = arith.cmpi slt, %rem3A_667, %lt3A_670 : i32
        %lt3A_672 = arith.constant 0 : i32
        %lt3A_673 = arith.cmpi slt, %select_n3A_666, %lt3A_672 : i32
        %ne3A_674 = arith.xori %lt3A_671, %lt3A_673 : i1
        %and3A_675 = arith.andi %ne3A_674, %ne3A_669 : i1
        %add3A_676 = arith.addi %rem3A_667, %select_n3A_666 : i32
        %select_n3A_677 = arith.select %and3A_675, %add3A_676, %rem3A_667 : i32
        %mul3A_678 = arith.constant 64 : i32
        %mul3A_679 = arith.muli %select_n3A_677, %mul3A_678 : i32
        %add3A_680 = arith.addi %mul3A_2, %mul3A_679 : i32
        %dma_wait3A_681 = arith.constant 0 : i32
        %dma_wait3A_682 = tpu.memref_slice %arg7[%select_n3A_661, %add3A_680, %dma_wait3A_681] : memref<50x4096x128xf32, #tpu.memory_space<hbm>> -> memref<1x64x128xf32, #tpu.memory_space<hbm>>
        %dma_wait3A_683 = tpu.memref_squeeze %dma_wait3A_682 : memref<1x64x128xf32, #tpu.memory_space<hbm>> -> memref<64x128xf32, #tpu.memory_space<hbm>>
        %dma_wait3A_684 = arith.constant 0 : i32
        %dma_wait3A_685 = tpu.memref_slice %arg7[%select_n3A_661, %add3A_680, %dma_wait3A_684] : memref<50x4096x128xf32, #tpu.memory_space<hbm>> -> memref<1x64x128xf32, #tpu.memory_space<hbm>>
        %dma_wait3A_686 = tpu.memref_squeeze %dma_wait3A_685 : memref<1x64x128xf32, #tpu.memory_space<hbm>> -> memref<64x128xf32, #tpu.memory_space<hbm>>
        tpu.wait_dma2 semaphore(%arg21 : memref<!tpu.dma_semaphore, #tpu.memory_space<semaphore_mem>>) src(%arg11 : memref<64x128xf32, #tpu.memory_space<vmem>>) dst(%dma_wait3A_686 : memref<64x128xf32, #tpu.memory_space<hbm>>)
      } else {
      }
      %add3A_533 = arith.constant 3 : i32
      %add3A_534 = arith.addi %add3A_527, %add3A_533 : i32
      %lt3A_535 = arith.constant 100 : i32
      %lt3A_536 = arith.cmpi slt, %add3A_534, %lt3A_535 : i32
      %convert_element_type3A_537 = arith.extui %lt3A_536 : i1 to i32
      %cond3A_538 = arith.constant 0 : i32
      %cond3A_539 = arith.cmpi ne, %convert_element_type3A_537, %cond3A_538 : i32
      scf.if %cond3A_539 {
        %add3A_636 = arith.constant 3 : i32
        %add3A_637 = arith.addi %add3A_527, %add3A_636 : i32
        %jit3A_638 = arith.constant 2 : i32
        %div3A_639 = arith.divsi %add3A_637, %jit3A_638 : i32
        %sign3A_640 = arith.constant 0 : i32
        %sign3A_641 = arith.cmpi sgt, %add3A_637, %sign3A_640 : i32
        %sign3A_642 = arith.extui %sign3A_641 : i1 to i32
        %sign3A_643 = arith.constant 0 : i32
        %sign3A_644 = arith.cmpi slt, %add3A_637, %sign3A_643 : i32
        %sign3A_645 = arith.extui %sign3A_644 : i1 to i32
        %sign3A_646 = arith.subi %sign3A_642, %sign3A_645 : i32
        %sign3A_647 = arith.constant 0 : i32
        %sign3A_648 = arith.cmpi sgt, %jit3A_638, %sign3A_647 : i32
        %sign3A_649 = arith.extui %sign3A_648 : i1 to i32
        %sign3A_650 = arith.constant 0 : i32
        %sign3A_651 = arith.cmpi slt, %jit3A_638, %sign3A_650 : i32
        %sign3A_652 = arith.extui %sign3A_651 : i1 to i32
        %sign3A_653 = arith.subi %sign3A_649, %sign3A_652 : i32
        %ne3A_654 = arith.cmpi ne, %sign3A_646, %sign3A_653 : i32
        %rem3A_655 = arith.remsi %add3A_637, %jit3A_638 : i32
        %ne3A_656 = arith.constant 0 : i32
        %ne3A_657 = arith.cmpi ne, %rem3A_655, %ne3A_656 : i32
        %and3A_658 = arith.andi %ne3A_654, %ne3A_657 : i1
        %sub3A_659 = arith.constant 1 : i32
        %sub3A_660 = arith.subi %div3A_639, %sub3A_659 : i32
        %select_n3A_661 = arith.select %and3A_658, %sub3A_660, %div3A_639 : i32
        %jit3A_662 = arith.constant 2 : i32
        %eq3A_663 = arith.constant 0 : i32
        %eq3A_664 = arith.cmpi eq, %jit3A_662, %eq3A_663 : i32
        %jit3A_665 = arith.constant 1 : i32
        %select_n3A_666 = arith.select %eq3A_664, %jit3A_665, %jit3A_662 : i32
        %rem3A_667 = arith.remsi %add3A_637, %select_n3A_666 : i32
        %ne3A_668 = arith.constant 0 : i32
        %ne3A_669 = arith.cmpi ne, %rem3A_667, %ne3A_668 : i32
        %lt3A_670 = arith.constant 0 : i32
        %lt3A_671 = arith.cmpi slt, %rem3A_667, %lt3A_670 : i32
        %lt3A_672 = arith.constant 0 : i32
        %lt3A_673 = arith.cmpi slt, %select_n3A_666, %lt3A_672 : i32
        %ne3A_674 = arith.xori %lt3A_671, %lt3A_673 : i1
        %and3A_675 = arith.andi %ne3A_674, %ne3A_669 : i1
        %add3A_676 = arith.addi %rem3A_667, %select_n3A_666 : i32
        %select_n3A_677 = arith.select %and3A_675, %add3A_676, %rem3A_667 : i32
        %mul3A_678 = arith.constant 64 : i32
        %mul3A_679 = arith.muli %select_n3A_677, %mul3A_678 : i32
        %dma_start3A_680 = tpu.memref_slice %arg8[%select_n3A_661, %mul3A_679] : memref<50x128xi32, #tpu.memory_space<vmem>> -> memref<1x64xi32, #tpu.memory_space<vmem>>
        %dma_start3A_681 = tpu.memref_squeeze %dma_start3A_680 : memref<1x64xi32, #tpu.memory_space<vmem>> -> memref<64xi32, #tpu.memory_space<vmem>>
        %dma_start3A_682 = arith.constant 0 : i32
        %dma_start3A_683 = arith.constant 0 : i32
        %dma_start3A_684 = tpu.memref_slice %arg3[%dma_start3A_682, %dma_start3A_683] : memref<100000x128xf32, #tpu.memory_space<hbm>> -> memref<100000x128xf32, #tpu.memory_space<hbm>>
        tpu.enqueue_indirect_dma source(%dma_start3A_684 : memref<100000x128xf32, #tpu.memory_space<hbm>>) target(%arg11 : memref<64x128xf32, #tpu.memory_space<vmem>>) offsets(%dma_start3A_681 : memref<64xi32, #tpu.memory_space<vmem>>) semaphore(%arg16 : memref<!tpu.dma_semaphore, #tpu.memory_space<semaphore_mem>>)
      } else {
      }
      %jit3A_540 = arith.constant 2 : i32
      %div3A_541 = arith.divsi %add3A_527, %jit3A_540 : i32
      %sign3A_542 = arith.constant 0 : i32
      %sign3A_543 = arith.cmpi sgt, %add3A_527, %sign3A_542 : i32
      %sign3A_544 = arith.extui %sign3A_543 : i1 to i32
      %sign3A_545 = arith.constant 0 : i32
      %sign3A_546 = arith.cmpi slt, %add3A_527, %sign3A_545 : i32
      %sign3A_547 = arith.extui %sign3A_546 : i1 to i32
      %sign3A_548 = arith.subi %sign3A_544, %sign3A_547 : i32
      %sign3A_549 = arith.constant 0 : i32
      %sign3A_550 = arith.cmpi sgt, %jit3A_540, %sign3A_549 : i32
      %sign3A_551 = arith.extui %sign3A_550 : i1 to i32
      %sign3A_552 = arith.constant 0 : i32
      %sign3A_553 = arith.cmpi slt, %jit3A_540, %sign3A_552 : i32
      %sign3A_554 = arith.extui %sign3A_553 : i1 to i32
      %sign3A_555 = arith.subi %sign3A_551, %sign3A_554 : i32
      %ne3A_556 = arith.cmpi ne, %sign3A_548, %sign3A_555 : i32
      %rem3A_557 = arith.remsi %add3A_527, %jit3A_540 : i32
      %ne3A_558 = arith.constant 0 : i32
      %ne3A_559 = arith.cmpi ne, %rem3A_557, %ne3A_558 : i32
      %and3A_560 = arith.andi %ne3A_556, %ne3A_559 : i1
      %sub3A_561 = arith.constant 1 : i32
      %sub3A_562 = arith.subi %div3A_541, %sub3A_561 : i32
      %select_n3A_563 = arith.select %and3A_560, %sub3A_562, %div3A_541 : i32
      %jit3A_564 = arith.constant 2 : i32
      %eq3A_565 = arith.constant 0 : i32
      %eq3A_566 = arith.cmpi eq, %jit3A_564, %eq3A_565 : i32
      %jit3A_567 = arith.constant 1 : i32
      %select_n3A_568 = arith.select %eq3A_566, %jit3A_567, %jit3A_564 : i32
      %rem3A_569 = arith.remsi %add3A_527, %select_n3A_568 : i32
      %ne3A_570 = arith.constant 0 : i32
      %ne3A_571 = arith.cmpi ne, %rem3A_569, %ne3A_570 : i32
      %lt3A_572 = arith.constant 0 : i32
      %lt3A_573 = arith.cmpi slt, %rem3A_569, %lt3A_572 : i32
      %lt3A_574 = arith.constant 0 : i32
      %lt3A_575 = arith.cmpi slt, %select_n3A_568, %lt3A_574 : i32
      %ne3A_576 = arith.xori %lt3A_573, %lt3A_575 : i1
      %and3A_577 = arith.andi %ne3A_576, %ne3A_571 : i1
      %add3A_578 = arith.addi %rem3A_569, %select_n3A_568 : i32
      %select_n3A_579 = arith.select %and3A_577, %add3A_578, %rem3A_569 : i32
      %mul3A_580 = arith.constant 64 : i32
      %mul3A_581 = arith.muli %select_n3A_579, %mul3A_580 : i32
      %dma_wait3A_582 = tpu.memref_slice %arg8[%select_n3A_563, %mul3A_581] : memref<50x128xi32, #tpu.memory_space<vmem>> -> memref<1x64xi32, #tpu.memory_space<vmem>>
      %dma_wait3A_583 = tpu.memref_squeeze %dma_wait3A_582 : memref<1x64xi32, #tpu.memory_space<vmem>> -> memref<64xi32, #tpu.memory_space<vmem>>
      %dma_wait3A_584 = arith.constant 0 : i32
      %dma_wait3A_585 = arith.constant 0 : i32
      %dma_wait3A_586 = tpu.memref_slice %arg3[%dma_wait3A_584, %dma_wait3A_585] : memref<100000x128xf32, #tpu.memory_space<hbm>> -> memref<100000x128xf32, #tpu.memory_space<hbm>>
      tpu.wait_indirect_dma semaphore(%arg18 : memref<!tpu.dma_semaphore, #tpu.memory_space<semaphore_mem>>) src(%dma_wait3A_586 : memref<100000x128xf32, #tpu.memory_space<hbm>>) dst(%arg13 : memref<64x128xf32, #tpu.memory_space<vmem>>)
      %jit3A_587 = arith.constant 2 : i32
      %div3A_588 = arith.divsi %add3A_527, %jit3A_587 : i32
      %sign3A_589 = arith.constant 0 : i32
      %sign3A_590 = arith.cmpi sgt, %add3A_527, %sign3A_589 : i32
      %sign3A_591 = arith.extui %sign3A_590 : i1 to i32
      %sign3A_592 = arith.constant 0 : i32
      %sign3A_593 = arith.cmpi slt, %add3A_527, %sign3A_592 : i32
      %sign3A_594 = arith.extui %sign3A_593 : i1 to i32
      %sign3A_595 = arith.subi %sign3A_591, %sign3A_594 : i32
      %sign3A_596 = arith.constant 0 : i32
      %sign3A_597 = arith.cmpi sgt, %jit3A_587, %sign3A_596 : i32
      %sign3A_598 = arith.extui %sign3A_597 : i1 to i32
      %sign3A_599 = arith.constant 0 : i32
      %sign3A_600 = arith.cmpi slt, %jit3A_587, %sign3A_599 : i32
      %sign3A_601 = arith.extui %sign3A_600 : i1 to i32
      %sign3A_602 = arith.subi %sign3A_598, %sign3A_601 : i32
      %ne3A_603 = arith.cmpi ne, %sign3A_595, %sign3A_602 : i32
      %rem3A_604 = arith.remsi %add3A_527, %jit3A_587 : i32
      %ne3A_605 = arith.constant 0 : i32
      %ne3A_606 = arith.cmpi ne, %rem3A_604, %ne3A_605 : i32
      %and3A_607 = arith.andi %ne3A_603, %ne3A_606 : i1
      %sub3A_608 = arith.constant 1 : i32
      %sub3A_609 = arith.subi %div3A_588, %sub3A_608 : i32
      %select_n3A_610 = arith.select %and3A_607, %sub3A_609, %div3A_588 : i32
      %jit3A_611 = arith.constant 2 : i32
      %eq3A_612 = arith.constant 0 : i32
      %eq3A_613 = arith.cmpi eq, %jit3A_611, %eq3A_612 : i32
      %jit3A_614 = arith.constant 1 : i32
      %select_n3A_615 = arith.select %eq3A_613, %jit3A_614, %jit3A_611 : i32
      %rem3A_616 = arith.remsi %add3A_527, %select_n3A_615 : i32
      %ne3A_617 = arith.constant 0 : i32
      %ne3A_618 = arith.cmpi ne, %rem3A_616, %ne3A_617 : i32
      %lt3A_619 = arith.constant 0 : i32
      %lt3A_620 = arith.cmpi slt, %rem3A_616, %lt3A_619 : i32
      %lt3A_621 = arith.constant 0 : i32
      %lt3A_622 = arith.cmpi slt, %select_n3A_615, %lt3A_621 : i32
      %ne3A_623 = arith.xori %lt3A_620, %lt3A_622 : i1
      %and3A_624 = arith.andi %ne3A_623, %ne3A_618 : i1
      %add3A_625 = arith.addi %rem3A_616, %select_n3A_615 : i32
      %select_n3A_626 = arith.select %and3A_624, %add3A_625, %rem3A_616 : i32
      %mul3A_627 = arith.constant 64 : i32
      %mul3A_628 = arith.muli %select_n3A_626, %mul3A_627 : i32
      %add3A_629 = arith.addi %mul3A_2, %mul3A_628 : i32
      %dma_start3A_630 = arith.constant 0 : i32
      %dma_start3A_631 = tpu.memref_slice %arg7[%select_n3A_610, %add3A_629, %dma_start3A_630] : memref<50x4096x128xf32, #tpu.memory_space<hbm>> -> memref<1x64x128xf32, #tpu.memory_space<hbm>>
      %dma_start3A_632 = tpu.memref_squeeze %dma_start3A_631 : memref<1x64x128xf32, #tpu.memory_space<hbm>> -> memref<64x128xf32, #tpu.memory_space<hbm>>
      %dma_start3A_633 = arith.constant 0 : i32
      %dma_start3A_634 = tpu.memref_slice %arg7[%select_n3A_610, %add3A_629, %dma_start3A_633] : memref<50x4096x128xf32, #tpu.memory_space<hbm>> -> memref<1x64x128xf32, #tpu.memory_space<hbm>>
      %dma_start3A_635 = tpu.memref_squeeze %dma_start3A_634 : memref<1x64x128xf32, #tpu.memory_space<hbm>> -> memref<64x128xf32, #tpu.memory_space<hbm>>
      tpu.enqueue_dma source(%arg13 : memref<64x128xf32, #tpu.memory_space<vmem>>) target(%dma_start3A_635 : memref<64x128xf32, #tpu.memory_space<hbm>>) target_semaphore(%arg23 : memref<!tpu.dma_semaphore, #tpu.memory_space<semaphore_mem>>)
    }
    %scan3A_69 = arith.constant 20 : i32
    %add3A_70 = arith.constant 0 : i32
    %add3A_71 = arith.addi %mul3A_2, %add3A_70 : i32
    %dma_wait3A_72 = arith.constant 49 : i32
    %dma_wait3A_73 = arith.constant 0 : i32
    %dma_wait3A_74 = tpu.memref_slice %arg7[%dma_wait3A_72, %add3A_71, %dma_wait3A_73] : memref<50x4096x128xf32, #tpu.memory_space<hbm>> -> memref<1x64x128xf32, #tpu.memory_space<hbm>>
    %dma_wait3A_75 = tpu.memref_squeeze %dma_wait3A_74 : memref<1x64x128xf32, #tpu.memory_space<hbm>> -> memref<64x128xf32, #tpu.memory_space<hbm>>
    %dma_wait3A_76 = arith.constant 0 : i32
    %dma_wait3A_77 = tpu.memref_slice %arg7[%dma_wait3A_72, %add3A_71, %dma_wait3A_76] : memref<50x4096x128xf32, #tpu.memory_space<hbm>> -> memref<1x64x128xf32, #tpu.memory_space<hbm>>
    %dma_wait3A_78 = tpu.memref_squeeze %dma_wait3A_77 : memref<1x64x128xf32, #tpu.memory_space<hbm>> -> memref<64x128xf32, #tpu.memory_space<hbm>>
    tpu.wait_dma2 semaphore(%arg22 : memref<!tpu.dma_semaphore, #tpu.memory_space<semaphore_mem>>) src(%arg12 : memref<64x128xf32, #tpu.memory_space<vmem>>) dst(%dma_wait3A_78 : memref<64x128xf32, #tpu.memory_space<hbm>>)
    %add3A_79 = arith.constant 64 : i32
    %add3A_80 = arith.addi %mul3A_2, %add3A_79 : i32
    %dma_wait3A_81 = arith.constant 49 : i32
    %dma_wait3A_82 = arith.constant 0 : i32
    %dma_wait3A_83 = tpu.memref_slice %arg7[%dma_wait3A_81, %add3A_80, %dma_wait3A_82] : memref<50x4096x128xf32, #tpu.memory_space<hbm>> -> memref<1x64x128xf32, #tpu.memory_space<hbm>>
    %dma_wait3A_84 = tpu.memref_squeeze %dma_wait3A_83 : memref<1x64x128xf32, #tpu.memory_space<hbm>> -> memref<64x128xf32, #tpu.memory_space<hbm>>
    %dma_wait3A_85 = arith.constant 0 : i32
    %dma_wait3A_86 = tpu.memref_slice %arg7[%dma_wait3A_81, %add3A_80, %dma_wait3A_85] : memref<50x4096x128xf32, #tpu.memory_space<hbm>> -> memref<1x64x128xf32, #tpu.memory_space<hbm>>
    %dma_wait3A_87 = tpu.memref_squeeze %dma_wait3A_86 : memref<1x64x128xf32, #tpu.memory_space<hbm>> -> memref<64x128xf32, #tpu.memory_space<hbm>>
    tpu.wait_dma2 semaphore(%arg23 : memref<!tpu.dma_semaphore, #tpu.memory_space<semaphore_mem>>) src(%arg13 : memref<64x128xf32, #tpu.memory_space<vmem>>) dst(%dma_wait3A_87 : memref<64x128xf32, #tpu.memory_space<hbm>>)
    return
  }
}

</mosaic_0001>

<sc_bundles>
// kernel: kernel.3.cloned.1.call-start
scs
__scs_entry_jumppad:
0x0: {  	(pc) =	sbr.rel $0x88, $3  }
0x1: {  	(tag) =	ssettag $0x0;
	lr =	simm.s32 $0x1  }
0x2: {  	[smem:$0x3F9D] =	sst lr;
	_ =	strace $0xD0000000  }
0x3: {  	_ = 	snop  }
0x4: {  	_ = 	snop  }
0x5: {  	_ = 	snop  }
0x6: {  	_ = 	snop  }
0x7: {  	_ = 	snop  }
__scs_overlays_trampoline_lowered:
0x8: {  	[smem:$0x3FAC] =	sst s0  }
0x9: {  	[smem:$0x3FAD] =	sst s1  }
0xa: {  	[smem:$0x3FAE] =	sst s2  }
0xb: {  	[smem:$0x3FAF] =	sst s3  }
0xc: {  	[smem:$0x3FB0] =	sst s4  }
0xd: {  	[smem:$0x3FB1] =	sst s5  }
0xe: {  	[smem:$0x3FB2] =	sst s6  }
0xf: {  	[smem:$0x3FB3] =	sst s7  }
0x10: {  	[smem:$0x3FB4] =	sst s8  }
0x11: {  	[smem:$0x3FB5] =	sst s9;
	s0 =	simm.s32 @!p0 $0x0  }
0x12: {  	s1 =	sld [smem:$0x3F9B];
	s0 =	simm.s32 @p0 $0x1  }
0x13: {  	[smem:$0x3FB6] =	sst s0;
	s0 =	simm.s32 @!p1 $0x0  }
0x14: {  	s2 =	sld [smem:$0x3F9A];
	s0 =	simm.s32 @p1 $0x1  }
0x15: {  	[smem:$0x3FB7] =	sst s0;
	s0 =	simm.s32 @!p2 $0x0  }
0x16: {  	s3 =	sld [smem:$0x3FDB];
	s0 =	simm.s32 @p2 $0x1  }
0x17: {  	s4 =	simm.s32 $0x1BF5;
	[smem:$0x3FB9] =	sst s0  }
0x18: {  	s0 =	sld [smem:$0x3F9C];
	_ =	swait.ge [sflag:s4], $0x0  }
0x19: {  	s7 =	sld [smem:$0x3F9D]  }
0x1a: {  	s8 =	sadd.s32 $0xFFFFE003, lr  }
0x1b: {  	s9 =	sadd.s32 $0xFFFFFEF7, lr;
	s5 =	simm.s32 $0xFFFFFFFF;
	p2 =	slt.u32 s8, $0xFFFFF086  }
0x1c: {  	p1 =	slt.u32 s9, $0xF7A;
	s5 =	simm.s32 @!p2 $0x0  }
0x1d: {  	s5 =	simm.s32 @p1 $0x1;
	p0 =	seq.s32 s7, s2  }
0x1e: {  	s7 =	smul.u32 @!p0 $0xF7A, s2;
	p2 =	seq.s32 @!p0 s5, $0x0  }
0x1f: {  	s9 =	smul.u32 $0xF7A, s1;
	s8 =	simm.s32 @!p0 $0x1BF5;
	p2 =	por !p2, p0  }
0x20: {  	[sflag:s8] =	ssyncset.s32 @!p0 $0xFFFFF086;
	s6 =	sadd.s32 @!p0 s3, s7;
	s7 =	simm.s32 @!p0 $0x108  }
0x21: {  	s3 =	sadd.s32 s3, s9;
	s6 =	sadd.s32 @!p0 $0x88, s6;
	s7 =	simm.s32 @p2 $0x1082  }
0x22: {  	[simem:s7], [sflag:s8] =	dma.local @!p0 [hbm:s6], $0xF7A  }
0x23: {  	s9 =	sor.u32 $0xD0000000, s2;
	s6 =	simm.s32 $0x108;
	_ =	swait.ge @!p0 [sflag:s8], $0x0  }
0x24: {  	s3 =	sadd.s32 $0x88, s3;
	s6 =	simm.s32 @!p1 $0x1082;
	[sflag:s4] =	ssyncset.s32 $0xFFFFF086  }
0x25: {  	[simem:s6], [sflag:s4] =	dma.local [hbm:s3], $0xF7A  }
0x26: {  	[smem:$0x3F9D] =	sst s1;
	(tag) =	ssettag s2;
	_ =	strace s9  }
0x27: {  	s1 =	sld [smem:$0x3FAD]  }
0x28: {  	s2 =	sld [smem:$0x3FAE]  }
0x29: {  	s4 =	sld [smem:$0x3FB0]  }
0x2a: {  	p0 =	seq.s32 s5, $0x0;
	s5 =	sld [smem:$0x3FB1]  }
0x2b: {  	s6 =	sld [smem:$0x3FB2]  }
0x2c: {  	s7 =	sld [smem:$0x3FB3]  }
0x2d: {  	s3 =	simm.s32 $0x108;
	s8 =	sld [smem:$0x3FB4]  }
0x2e: {  	s3 =	simm.s32 @!p0 $0x1082;
	s9 =	sld [smem:$0x3FB5]  }
0x2f: {  	lr =	sadd.s32 s0, s3;
	s0 =	sld [smem:$0x3FAC]  }
0x30: {  	s3 =	sld [smem:$0x3FAF]  }
0x31: {  	[smem:$0x3FB8] =	sst s10  }
0x32: {  	s10 =	sld [smem:$0x3FB6];
	_ =	sdelay $0x3  }
0x33: {  	p0 =	seq.s32 s10, $0x1;
	s10 =	sld [smem:$0x3FB8];
	_ =	sdelay $0x3  }
0x34: {  	[smem:$0x3FB8] =	sst s10  }
0x35: {  	s10 =	sld [smem:$0x3FB7];
	_ =	sdelay $0x3  }
0x36: {  	p1 =	seq.s32 s10, $0x1;
	s10 =	sld [smem:$0x3FB8];
	_ =	sdelay $0x3  }
0x37: {  	[smem:$0x3FB8] =	sst s10  }
0x38: {  	s10 =	sld [smem:$0x3FB9]  }
0x39: {  	_ = 	snop;
	(pc) =	sbr.ind lr, $3  }
0x3a: {  	_ = 	snop  }
0x3b: {  	_ = 	snop  }
0x3c: {  	p2 =	seq.s32 s10, $0x1;
	s10 =	sld [smem:$0x3FB8]  }
0x3d: {  	_ =	shalt  }
0x3e: {  	_ =	shalt  }
0x3f: {  	_ =	shalt  }
0x40: {  	_ =	shalt  }
0x41: {  	_ =	shalt  }
0x42: {  	_ =	shalt  }
0x43: {  	_ =	shalt  }
0x44: {  	_ =	shalt  }
0x45: {  	_ =	shalt  }
0x46: {  	_ =	shalt  }
0x47: {  	_ =	shalt  }
0x48: {  	_ =	shalt  }
0x49: {  	_ =	shalt  }
0x4a: {  	_ =	shalt  }
0x4b: {  	_ =	shalt  }
0x4c: {  	_ =	shalt  }
0x4d: {  	_ =	shalt  }
0x4e: {  	_ =	shalt  }
0x4f: {  	_ =	shalt  }
0x50: {  	_ =	shalt  }
0x51: {  	_ =	shalt  }
0x52: {  	_ =	shalt  }
0x53: {  	_ =	shalt  }
0x54: {  	_ =	shalt  }
0x55: {  	_ =	shalt  }
0x56: {  	_ =	shalt  }
0x57: {  	_ =	shalt  }
0x58: {  	_ =	shalt  }
0x59: {  	_ =	shalt  }
0x5a: {  	_ =	shalt  }
0x5b: {  	_ =	shalt  }
0x5c: {  	_ =	shalt  }
0x5d: {  	_ =	shalt  }
0x5e: {  	_ =	shalt  }
0x5f: {  	_ =	shalt  }
0x60: {  	_ =	shalt  }
0x61: {  	_ =	shalt  }
0x62: {  	_ =	shalt  }
0x63: {  	_ =	shalt  }
0x64: {  	_ =	shalt  }
0x65: {  	_ =	shalt  }
0x66: {  	_ =	shalt  }
0x67: {  	_ =	shalt  }
0x68: {  	_ =	shalt  }
0x69: {  	_ =	shalt  }
0x6a: {  	_ =	shalt  }
0x6b: {  	_ =	shalt  }
0x6c: {  	_ =	shalt  }
0x6d: {  	_ =	shalt  }
0x6e: {  	_ =	shalt  }
0x6f: {  	_ =	shalt  }
0x70: {  	_ =	shalt  }
0x71: {  	_ =	shalt  }
0x72: {  	_ =	shalt  }
0x73: {  	_ =	shalt  }
0x74: {  	_ =	shalt  }
0x75: {  	_ =	shalt  }
0x76: {  	_ =	shalt  }
0x77: {  	_ =	shalt  }
0x78: {  	_ =	shalt  }
0x79: {  	_ =	shalt  }
0x7a: {  	_ =	shalt  }
0x7b: {  	_ =	shalt  }
0x7c: {  	_ =	shalt  }
0x7d: {  	_ =	shalt  }
0x7e: {  	_ =	shalt  }
0x7f: {  	_ =	shalt  }
0x80: {  	_ =	shalt  }
0x81: {  	_ =	shalt  }
0x82: {  	_ =	shalt  }
0x83: {  	_ =	shalt  }
0x84: {  	_ =	shalt  }
0x85: {  	_ =	shalt  }
0x86: {  	_ =	shalt  }
0x87: {  	_ =	shalt  }
.Lfunc_end0:
.L_simem_size_0:
called_computation_lowered:
.L_overlay_start_0:
0x88: {  	s2 =	sld [smem:$0x3FD9]  }
0x89: {  	s3 =	sld [smem:$0x3FFE];
	_ =	sdelay $0x1  }
0x8a: {  	s1 =	srdreg.scid  }
0x8b: {  	s0 =	sand.u32 $0x1, s1  }
0x8c: {  	s15 =	sshll.u32 s0, $0xA;
	s2 =	sadd.s32 s3, s2  }
0x8d: {  	s2 =	sadd.s32 s2, s15  }
0x8e: {  	[smem:$0x3FC4] =	sst s2  }
0x8f: {  	_ = 	snop  }
0x90: {  	s2 =	sld [smem:$0x3FC9]  }
0x91: {  	s16 =	sld [smem:$0x3FD0]  }
0x92: {  	s4 =	sld [smem:$0x3FC8]  }
0x93: {  	s5 =	sld [smem:$0x3FC7]  }
0x94: {  	s7 =	simm.s32 $0xA;
	s8 =	simm.s32 $0x10;
	s6 =	sld [smem:$0x3FC6]  }
0x95: {  	[smem:s8], [sflag:s7] =	dma.local [hbm:s16], $0x1  }
0x96: {  	_ =	swait.eq [sflag:s7], $0x1  }
0x97: {  	[sflag:s7] =	ssyncset.done $0x0  }
0x98: {  	s17 =	sld [smem:$0x10];
	[sflag:s7] =	ssyncadd.s32 $0xFFFFFFFF  }
0x99: {  	s18 =	sld [smem:$0x11];
	(tm) =	ssettm $0x1  }
0x9a: {  	s19 =	sld [smem:$0x3FFB];
	_ =	sdelay $0x3  }
0x9b: {  	_ =	strace s19  }
0x9c: {  	s8 =	sld [smem:$0x3FFC];
	_ =	sdelay $0x3  }
0x9d: {  	_ =	strace s8  }
0x9e: {  	s8 =	sld [smem:$0x3FFD];
	_ =	sdelay $0x3  }
0x9f: {  	_ =	strace s8  }
0xa0: {  	_ =	strace $0x8FFFFFFF  }
0xa1: {  	s20 =	sld [smem:$0x3FDB];
	_ =	sdelay $0x1  }
0xa2: {  	s9 =	simm.s32 $_scs_section_size  }
0xa3: {  	s10 =	simm.s32 $_size__tile_overlayer_lowered;
	s11 =	simm.s32 $_tile_overlayer_lowered  }
0xa4: {  	s23 =	simm.s32 $0x1BFF;
	s22 =	sshll.u32 s11, $0x1;
	s8 =	sadd.s32 s9, s20  }
0xa5: {  	s12 =	simm.s32 $0x0;
	s21 =	sshll.u32 s10, $0x1;
	s10 =	sadd.s32 s22, s8  }
0xa6: {  	[timem:s12], [sflag:s23] =	dma.local [hbm:s10], s21  }
0xa7: {  	_ =	swait.ge [sflag:s23], s21  }
0xa8: {  	s9 =	ssub.s32 $0x0, s21;
	[sflag:s23] =	ssyncset.done $0x0  }
0xa9: {  	[sflag:s23] =	ssyncadd.s32 s9;
	_ =	sdelay $0x1  }
0xaa: {  	s24 =	simm.s32 $0x1B8B  }
0xab: {  	_ =	swait.ge [sflag:s24], $0x1  }
0xac: {  	[sflag:s24] =	ssyncset.done $0x0  }
0xad: {  	s25 =	simm.s32 $0x1B8E;
	[sflag:s24] =	ssyncadd.s32 $0xFFFFFFFF  }
0xae: {  	s26 =	simm.s32 $execute0_lowered;
	[smem:$0x3FD2] =	sst s25  }
0xaf: {  	s9 =	sshll.u32 s26, $0x1;
	_ =	strace $0x80000046;
	[dreg:$0x1] =	wrdreg $0xFFFFFFFF  }
0xb0: {  	s28 =	simm.s32 $_size_execute0_lowered;
	s8 =	sadd.s32 s8, s9;
	[dreg:$0x0] =	wrdreg $0x0  }
0xb1: {  	s9 =	sshll.u32 s28, $0x1;
	[dreg:$0x2] =	wrdreg s8  }
0xb2: {  	[dreg:$0x3] =	wrdreg s9  }
0xb3: {  	[dreg:$0x4] =	wrdreg $0xC0  }
0xb4: {  	_ =	task [dreg:s12], $0x5FFFF  }
0xb5: {  	[dreg:$0x1] =	wrdreg $0xFFFFFFFF  }
0xb6: {  	[dreg:$0x0] =	wrdreg $0x60  }
0xb7: {  	[dreg:$0x2] =	wrdreg s5  }
0xb8: {  	[dreg:$0x3] =	wrdreg s6  }
0xb9: {  	[dreg:$0x4] =	wrdreg s2  }
0xba: {  	[dreg:$0x5] =	wrdreg s4  }
0xbb: {  	[dreg:$0x6] =	wrdreg s17  }
0xbc: {  	[dreg:$0x7] =	wrdreg s18  }
0xbd: {  	[dreg:$0x8] =	wrdreg $0x9  }
0xbe: {  	_ =	task.clear_ibuf [dreg:s12], $0x9FFFF;
	_ =	strace $0x90000046  }
0xbf: {  	s29 =	simm.s32 $0x9;
	_ =	strace $0x80000048  }
0xc0: {  	_ =	swait.ge [sflag:s29], $0x1  }
0xc1: {  	[sflag:s29] =	ssyncadd.s32 $0xFFFFFFFF  }
0xc2: {  	_ =	strace $0x90000048  }
0xc3: {  	_ =	sfence  }
0xc4: {  	s30 =	sld [smem:$0x0];
	_ =	sdelay $0x2  }
0xc5: {  	s31 =	sshll.u32 s1, $0xD;
	s1 =	sshrl.u32 s1, $0x2  }
0xc6: {  	s3 =	sand.u32 $0x4000, s31;
	s1 =	sadd.s32 s1, s30  }
0xc7: {  	s0 =	sor.u32 s3, s0;
	s1 =	sshll.u32 s1, $0x11  }
0xc8: {  	s0 =	sor.u32 s1, s0  }
0xc9: {  	s0 =	sadd.s32 $0x8F2B, s0  }
0xca: {  	[sflag:s0] =	ssyncadd.remote.s32 $0x1  }
0xcb: {  	_ =	sfence.sel $0xFFFF  }
0xcc: {  	[dreg:$0x0] =	wrdreg $0xFFFFFFFF;
	(pc) =	sbr.abs _section_cstart, $3  }
0xcd: {  	[dreg:$0x1] =	wrdreg $0xFFFFFFFF  }
0xce: {  	_ =	task.clear_ibuf [dreg:s12], $0x2FFFF;
	_ =	strace $0x9FFFFFFF  }
0xcf: {  	(tm) =	ssettm $0x7FFFFFFF  }
tec
execute0_lowered:
.L_overlay_start_1:
0x0: {  	(tag) =	ssettag $0x1  }
0x1: {  	s1 =	rddreg [dreg:$0x0]  }
0x2: {  	s20 =	rddreg [dreg:$0x1]  }
0x3: {  	s2 =	rddreg [dreg:$0x2]  }
0x4: {  	s3 =	rddreg [dreg:$0x3]  }
0x5: {  	s5 =	rddreg [dreg:$0x4]  }
0x6: {  	s6 =	srdreg.scid;
	s9 =	stileid.u32;
	s13 =	simm.s32 $0x40  }
0x7: {  	s14 =	simm.s32 $0x1C00;
	s15 =	simm.s32 $0x3C00;
	s18 =	simm.s32 $0x5C00  }
0x8: {  	s16 =	simm.s32 $0x7C00;
	s22 =	simm.s32 $0x1;
	s0 =	simm.s32 $0x9C00  }
0x9: {  	s28 =	simm.s32 $0x7;
	s29 =	simm.s32 $0x4;
	s30 =	simm.s32 $0x8  }
0xa: {  	s31 =	simm.s32 $0x5;
	s23 =	simm.s32 $0x7C00;
	s7 =	sand.u32 $0x1, s6  }
0xb: {  	s9 =	sshll.u32 s9, $0x7;
	s6 =	simm.s32 $0x0;
	s8 =	sshll.u32 s7, $0xB  }
0xc: {  	s10 =	ssub.s32 $0x2, s7;
	[smem:$0x7FF] =	sst s6;
	s7 =	sor.u32 s9, s8  }
0xd: {  	s24 =	sshrl.u32 s10, $0x1;
	_ =	strace $0x80000047;
	s9 =	sadd.s32 s2, s7  }
0xe: {  	s25 =	ssub.s32 s10, s24;
	s3 =	sadd.s32 s3, s7;
	[dreg:$0x7] =	wrdreg s9  }
0xf: {  	s24 =	simm.s32 $0x2;
	s26 =	sadd.s32 $0x6000, s9;
	[dreg:$0x9] =	wrdreg s3  }
0x10: {  	s2 =	smax.u32 s25, $0x1;
	s25 =	simm.s32 $0x6;
	[dreg:$0x8] =	wrdreg s26  }
0x11: {  	s3 =	simm.s32 $0x0;
	[dreg:$0xa] =	wrdreg s2;
	s26 =	simm.s32 $0x3  }
.LBB2_1:
0x12: {  	[dreg:$0xb] =	wrdreg s3  }
0x13: {  	s2 =	rddreg [dreg:$0x7];
	s21 =	simm.s32 $0x400;
	s8 =	simm.s32 $0x8000  }
0x14: {  	[tilespmem:s6], [sflag:$0xB] =	stream.strided.gather [hbm4b:s2+s21], $0x1800, s8, s21, $0x38;
	[tilespmem:$0xBC00] =	vst v63  }
0x15: {  	s3 =	rddreg [dreg:$0x8];
	s9 =	simm.s32 $0xB;
	s8 =	simm.s32 $0x1800  }
0x16: {  	[tilespmem:s8], [sflag:$0xB] =	stream.linear.gather [hbm4b:s3+s6], $0x100, $0x38;
	[tilespmem:$0xBC00] =	vst v63  }
0x17: {  	_ =	swait.ge [sflag:s9], $0x1900  }
0x18: {  	[sflag:s9] =	ssyncset.done $0x0  }
0x19: {  	s4 =	smov.u32 s20;
	s10 =	simm.s32 $0x80;
	[sflag:s9] =	ssyncadd.s32 $0xFFFFE700  }
0x1a: {  	[tilespmem:s14], [sflag:$0x1] =	stream.indirect.gather [hbm4b:s1+s13], $0x80, s6, s13, $0xb8;
	[tilespmem:$0xBC00] =	vst v63  }
0x1b: {  	p0 =	por $0x1, $0x1;
	s11 =	simm.s32 $0xC0;
	s17 =	simm.s32 $0x0  }
0x1c: {  	[tilespmem:s15], [sflag:$0x2] =	stream.indirect.gather [hbm4b:s1+s13], $0x80, s13, s13, $0xb8;
	[tilespmem:$0xBC00] =	vst v63  }
0x1d: {  	s20 =	simm.s32 $0x40;
	s21 =	simm.s32 $0x8000;
	s8 =	sand.u32 $0x40, s6  }
0x1e: {  	[tilespmem:s18], [sflag:$0x3] =	stream.indirect.gather [hbm4b:s1+s13], $0x80, s10, s13, $0xb8;
	[tilespmem:$0xBC00] =	vst v63  }
0x1f: {  	s3 =	sand.u32 $0x40, s11;
	s9 =	simm.s32 @!p0 $0x9;
	s10 =	simm.s32 $0x300  }
0x20: {  	s11 =	simm.s32 @!p0 $0xA;
	_ =	swait.ge @!p0 [sflag:s9], $0x2000;
	s10 =	sand.u32 $0x1FE00, s10  }
0x21: {  	s2 =	sor.u32 s7, s8;
	[sflag:s9] =	ssyncset.done @!p0 $0x0;
	s10 =	sshrl.u32 s10, $0x2  }
0x22: {  	[sflag:s9] =	ssyncadd.s32 @!p0 $0xFFFFE000;
	s12 =	sor.u32 s3, s10;
	s9 =	sshll.u32 s2, $0x7  }
0x23: {  	s10 =	sand.u32 $0x3F80000, s17;
	s17 =	sand.u32 $0x40, s20;
	s20 =	simm.s32 $0x20000  }
0x24: {  	[tilespmem:s16], [sflag:$0x4] =	stream.indirect.gather [hbm4b:s1+s13], $0x80, s12, s13, $0xb8;
	[tilespmem:$0xBC00] =	vst v63  }
0x25: {  	s3 =	sor.u32 s7, s3;
	s10 =	sor.u32 s10, s9;
	_ =	swait.ge [sflag:s22], $0x2000  }
0x26: {  	s12 =	simm.s32 $0x400;
	s10 =	sshrl.u32 s10, $0x3;
	[sflag:s22] =	ssyncset.done $0x0  }
0x27: {  	s19 =	sand.u32 $0x1FE00, s12;
	s10 =	sadd.s32 s5, s10;
	[sflag:s22] =	ssyncadd.s32 $0xFFFFE000  }
0x28: {  	[hbm4b:s10+s6] =	stream.linear.scatter [tilespmem:s14], [sflag:$0x6], $0x2000, $0x38;
	[tilespmem:$0xBC00] =	vst v63  }
0x29: {  	s2 =	sshll.u32 s2, $0x4;
	s10 =	sshrl.u32 s19, $0x2;
	_ =	swait.ge @!p0 [sflag:s11], $0x2000  }
0x2a: {  	s14 =	sand.u32 $0xFF0000, s21;
	s19 =	simm.s32 $0x80000;
	[sflag:s11] =	ssyncset.done @!p0 $0x0  }
0x2b: {  	s10 =	sor.u32 s8, s10;
	[sflag:s11] =	ssyncadd.s32 @!p0 $0xFFFFE000;
	s11 =	sor.u32 s7, s17  }
0x2c: {  	[tilespmem:s0], [sflag:$0x5] =	stream.indirect.gather [hbm4b:s1+s13], $0x80, s10, s13, $0xb8;
	[tilespmem:$0xBC00] =	vst v63  }
0x2d: {  	p0 =	por $0x0, $0x0;
	s10 =	sadd.s32 s5, s14;
	_ =	swait.ge [sflag:s24], $0x2000  }
0x2e: {  	s11 =	sshll.u32 s11, $0x4;
	s12 =	simm.s32 @!p0 $0x140;
	[sflag:s24] =	ssyncset.done $0x0  }
0x2f: {  	s10 =	sadd.s32 s11, s10;
	s11 =	simm.s32 @!p0 $0x500;
	[sflag:s24] =	ssyncadd.s32 $0xFFFFE000  }
0x30: {  	[hbm4b:s10+s6] =	stream.linear.scatter [tilespmem:s15], [sflag:$0x7], $0x2000, $0x38;
	[tilespmem:$0xBC00] =	vst v63  }
0x31: {  	s12 =	sand.u32 @!p0 $0x40, s12;
	s10 =	sand.u32 @!p0 $0x1FE00, s11;
	_ =	swait.ge [sflag:s25], $0x2000  }
0x32: {  	s11 =	simm.s32 @!p0 $0x1C00;
	s10 =	sshrl.u32 @!p0 s10, $0x2;
	[sflag:s25] =	ssyncset.done $0x0  }
0x33: {  	s10 =	sor.u32 @!p0 s12, s10;
	s12 =	simm.s32 @!p0 $0x40;
	[sflag:s25] =	ssyncadd.s32 $0xFFFFE000  }
0x34: {  	[tilespmem:s11], [sflag:$0x1] =	stream.indirect.gather @!p0 [hbm4b:s1+s12], $0x80, s10, s12, $0xb8;
	[tilespmem:$0xBC00] =	vst v63  }
0x35: {  	s3 =	sshll.u32 s3, $0x4;
	s21 =	simm.s32 $0x18000;
	s10 =	sand.u32 $0x7F80000, s19  }
0x36: {  	s13 =	simm.s32 $0xC00;
	s9 =	sor.u32 s10, s9;
	_ =	swait.ge [sflag:s26], $0x2000  }
0x37: {  	s14 =	simm.s32 $0x40;
	s9 =	sshrl.u32 s9, $0x3;
	[sflag:s26] =	ssyncset.done $0x0  }
0x38: {  	s10 =	simm.s32 @!p0 $0x600;
	s9 =	sadd.s32 s5, s9;
	[sflag:s26] =	ssyncadd.s32 $0xFFFFE000  }
0x39: {  	[hbm4b:s9+s6] =	stream.linear.scatter [tilespmem:s18], [sflag:$0x8], $0x2000, $0x38;
	[tilespmem:$0xBC00] =	vst v63  }
0x3a: {  	s11 =	sand.u32 $0xFF0000, s21;
	s10 =	sand.u32 @!p0 $0x1FE00, s10;
	_ =	swait.ge [sflag:s28], $0x2000  }
0x3b: {  	s21 =	simm.s32 $0x40;
	s10 =	sshrl.u32 @!p0 s10, $0x2;
	[sflag:s28] =	ssyncset.done $0x0  }
0x3c: {  	s8 =	sor.u32 @!p0 s8, s10;
	s10 =	simm.s32 @!p0 $0x3C00;
	[sflag:s28] =	ssyncadd.s32 $0xFFFFE000  }
0x3d: {  	[tilespmem:s10], [sflag:$0x2] =	stream.indirect.gather @!p0 [hbm4b:s1+s12], $0x80, s8, s12, $0xb8;
	[tilespmem:$0xBC00] =	vst v63  }
0x3e: {  	s19 =	simm.s32 $0x300;
	s11 =	sadd.s32 s5, s11;
	_ =	swait.ge [sflag:s29], $0x2000  }
0x3f: {  	s3 =	sadd.s32 s3, s11;
	s9 =	simm.s32 $0x700;
	[sflag:s29] =	ssyncset.done $0x0  }
0x40: {  	s11 =	simm.s32 $0x48000;
	s9 =	sand.u32 @!p0 $0x1FE00, s9;
	[sflag:s29] =	ssyncadd.s32 $0xFFFFE000  }
0x41: {  	[hbm4b:s3+s6] =	stream.linear.scatter [tilespmem:s16], [sflag:$0x9], $0x2000, $0x38;
	[tilespmem:$0xBC00] =	vst v63  }
0x42: {  	s8 =	simm.s32 $0x1C0;
	s10 =	sand.u32 $0xFF0000, s20;
	_ =	swait.ge [sflag:s30], $0x2000  }
0x43: {  	s8 =	sand.u32 @!p0 $0x40, s8;
	s3 =	sshrl.u32 @!p0 s9, $0x2;
	[sflag:s30] =	ssyncset.done $0x0  }
0x44: {  	s3 =	sor.u32 @!p0 s8, s3;
	s8 =	simm.s32 @!p0 $0x5C00;
	[sflag:s30] =	ssyncadd.s32 $0xFFFFE000  }
0x45: {  	[tilespmem:s8], [sflag:$0x3] =	stream.indirect.gather @!p0 [hbm4b:s1+s12], $0x80, s3, s12, $0xb8;
	[tilespmem:$0xBC00] =	vst v63  }
0x46: {  	s9 =	simm.s32 $0x1C0000;
	s3 =	sadd.s32 s5, s2;
	_ =	swait.ge [sflag:s31], $0x2000  }
.LBB2_2:
0x47: {  	s8 =	sand.u32 $0xFF0000, s11;
	[sflag:s31] =	ssyncset.done $0x0;
	s2 =	smov.u32 s13  }
0x48: {  	s13 =	sadd.s32 $0x500, s13;
	s12 =	sand.u32 $0x7F80000, s9;
	s3 =	sadd.s32 s10, s3  }
0x49: {  	s0 =	simm.s32 $0x9C00;
	s10 =	sand.u32 $0x40, s14;
	[sflag:s31] =	ssyncadd.s32 $0xFFFFE000  }
0x4a: {  	[hbm4b:s3+s6] =	stream.linear.scatter [tilespmem:s0], [sflag:$0xA], $0x2000, $0x38;
	[tilespmem:$0xBC00] =	vst v63  }
0x4b: {  	p0 =	seq.s32 s2, $0x700;
	s15 =	sadd.s32 $0xFFFFFC00, s2;
	s3 =	sadd.s32 $0xFFFFFF00, s19  }
0x4c: {  	s16 =	sadd.s32 $0xFFFFFD00, s2;
	s17 =	simm.s32 @!p0 $0x9;
	s3 =	sand.u32 $0x40, s3  }
0x4d: {  	s18 =	sand.u32 $0x1FE00, s15;
	s15 =	sor.u32 s7, s10;
	_ =	swait.ge @!p0 [sflag:s17], $0x2000  }
0x4e: {  	s18 =	sshrl.u32 s18, $0x2;
	s20 =	sshll.u32 s15, $0x7;
	[sflag:s17] =	ssyncset.done @!p0 $0x0  }
0x4f: {  	[sflag:s17] =	ssyncadd.s32 @!p0 $0xFFFFE000;
	s17 =	sor.u32 s3, s18;
	s18 =	sadd.s32 $0xFFF80000, s9  }
0x50: {  	[tilespmem:s23], [sflag:$0x4] =	stream.indirect.gather [hbm4b:s1+s21], $0x80, s17, s21, $0xb8;
	[tilespmem:$0xBC00] =	vst v63  }
0x51: {  	s12 =	sor.u32 s12, s20;
	s17 =	sand.u32 $0x3F80000, s18;
	_ =	swait.ge [sflag:s22], $0x2000  }
0x52: {  	s12 =	sshrl.u32 s12, $0x3;
	s17 =	sor.u32 s17, s20;
	[sflag:s22] =	ssyncset.done $0x0  }
0x53: {  	s18 =	sadd.s32 $0xFFFFFE80, s19;
	s17 =	sshrl.u32 s17, $0x3;
	[sflag:s22] =	ssyncadd.s32 $0xFFFFE000  }
0x54: {  	s21 =	simm.s32 $0x1C00;
	s20 =	simm.s32 @!p0 $0xA;
	s17 =	sadd.s32 s5, s17  }
0x55: {  	[hbm4b:s17+s6] =	stream.linear.scatter [tilespmem:s21], [sflag:$0x6], $0x2000, $0x38;
	[tilespmem:$0xBC00] =	vst v63  }
0x56: {  	s16 =	sand.u32 $0x1FE00, s16;
	s21 =	simm.s32 $0x40  }
0x57: {  	s16 =	sshrl.u32 s16, $0x2;
	s17 =	sadd.s32 $0xFFFE8000, s11;
	_ =	swait.ge @!p0 [sflag:s20], $0x2000  }
0x58: {  	s16 =	sor.u32 s10, s16;
	s17 =	sand.u32 $0xFF0000, s17;
	[sflag:s20] =	ssyncset.done @!p0 $0x0  }
0x59: {  	s18 =	sand.u32 $0x40, s18;
	s17 =	sadd.s32 s5, s17;
	[sflag:s20] =	ssyncadd.s32 @!p0 $0xFFFFE000  }
0x5a: {  	[tilespmem:s0], [sflag:$0x5] =	stream.indirect.gather [hbm4b:s1+s21], $0x80, s16, s21, $0xb8;
	[tilespmem:$0xBC00] =	vst v63  }
0x5b: {  	p0 =	seq.s32 s2, $0x6600;
	s16 =	sor.u32 s7, s18;
	_ =	swait.ge [sflag:s24], $0x2000  }
0x5c: {  	s18 =	sadd.s32 @!p0 $0xFFFFFF80, s19;
	s16 =	sshll.u32 s16, $0x4;
	[sflag:s24] =	ssyncset.done $0x0  }
0x5d: {  	s16 =	sadd.s32 s16, s17;
	s17 =	sadd.s32 @!p0 $0xFFFFFE00, s2;
	[sflag:s24] =	ssyncadd.s32 $0xFFFFE000  }
0x5e: {  	s20 =	simm.s32 @!p0 $0x1C00;
	s0 =	simm.s32 $0x3C00;
	s17 =	sand.u32 @!p0 $0x1FE00, s17  }
0x5f: {  	[hbm4b:s16+s6] =	stream.linear.scatter [tilespmem:s0], [sflag:$0x7], $0x2000, $0x38;
	[tilespmem:$0xBC00] =	vst v63  }
0x60: {  	s17 =	sshrl.u32 @!p0 s17, $0x2;
	s16 =	sand.u32 @!p0 $0x40, s18  }
0x61: {  	s18 =	sadd.s32 @!p0 $0xFFFFFF00, s2;
	s2 =	sand.u32 @!p0 $0x1FE00, s2;
	_ =	swait.ge [sflag:s25], $0x2000  }
0x62: {  	s16 =	sor.u32 @!p0 s16, s17;
	s17 =	simm.s32 @!p0 $0x40;
	[sflag:s25] =	ssyncset.done $0x0  }
0x63: {  	s2 =	sshrl.u32 @!p0 s2, $0x2;
	[sflag:s25] =	ssyncadd.s32 $0xFFFFE000  }
0x64: {  	[tilespmem:s20], [sflag:$0x1] =	stream.indirect.gather @!p0 [hbm4b:s1+s17], $0x80, s16, s17, $0xb8;
	[tilespmem:$0xBC00] =	vst v63  }
0x65: {  	s16 =	sand.u32 @!p0 $0x1FE00, s18;
	s18 =	simm.s32 $0x5C00;
	_ =	swait.ge [sflag:s26], $0x2000  }
0x66: {  	s12 =	sadd.s32 s5, s12;
	s16 =	sshrl.u32 @!p0 s16, $0x2;
	[sflag:s26] =	ssyncset.done $0x0  }
0x67: {  	s3 =	sor.u32 s7, s3;
	s10 =	sor.u32 @!p0 s10, s16;
	[sflag:s26] =	ssyncadd.s32 $0xFFFFE000  }
0x68: {  	[hbm4b:s12+s6] =	stream.linear.scatter [tilespmem:s18], [sflag:$0x8], $0x2000, $0x38;
	[tilespmem:$0xBC00] =	vst v63  }
0x69: {  	s12 =	sshll.u32 s3, $0x4;
	s3 =	sshll.u32 s15, $0x4;
	_ =	swait.ge [sflag:s28], $0x2000  }
0x6a: {  	s15 =	simm.s32 @!p0 $0x3C00;
	s3 =	sadd.s32 s5, s3;
	[sflag:s28] =	ssyncset.done $0x0  }
0x6b: {  	p1 =	sne.s32 s13, $0x6B00;
	s16 =	sadd.s32 $0xFFFF8000, s11;
	[sflag:s28] =	ssyncadd.s32 $0xFFFFE000  }
0x6c: {  	[tilespmem:s15], [sflag:$0x2] =	stream.indirect.gather @!p0 [hbm4b:s1+s17], $0x80, s10, s17, $0xb8;
	[tilespmem:$0xBC00] =	vst v63  }
0x6d: {  	s15 =	sand.u32 $0xFF0000, s16;
	s10 =	smov.u32 s8;
	_ =	swait.ge [sflag:s29], $0x2000  }
0x6e: {  	s8 =	sadd.s32 s5, s15;
	[sflag:s29] =	ssyncset.done $0x0  }
0x6f: {  	s8 =	sadd.s32 s12, s8;
	[sflag:s29] =	ssyncadd.s32 $0xFFFFE000  }
0x70: {  	[hbm4b:s8+s6] =	stream.linear.scatter [tilespmem:s23], [sflag:$0x9], $0x2000, $0x38;
	[tilespmem:$0xBC00] =	vst v63  }
.Ltmp0:
0x71: {  	s8 =	sand.u32 @!p0 $0x40, s19;
	_ =	swait.ge [sflag:s30], $0x2000;
	(pc) =	sbr.rel @p1 .LBB2_2-.Ltmp0, $4  }
0x72: {  	s2 =	sor.u32 @!p0 s8, s2;
	s8 =	simm.s32 @!p0 $0x5C00;
	[sflag:s30] =	ssyncset.done $0x0  }
0x73: {  	s14 =	sadd.s32 $0x40, s14;
	s9 =	sadd.s32 $0x140000, s9;
	[sflag:s30] =	ssyncadd.s32 $0xFFFFE000  }
0x74: {  	[tilespmem:s8], [sflag:$0x3] =	stream.indirect.gather @!p0 [hbm4b:s1+s17], $0x80, s2, s17, $0xb8;
	[tilespmem:$0xBC00] =	vst v63  }
0x75: {  	s11 =	sadd.s32 $0x28000, s11;
	s19 =	sadd.s32 $0x140, s19;
	_ =	swait.ge [sflag:s31], $0x2000  }
0x76: {  	[sflag:s31] =	ssyncset.done $0x0;
	s2 =	sadd.s32 s10, s3  }
0x77: {  	s0 =	simm.s32 $0x9C00;
	s1 =	simm.s32 $0x9;
	[sflag:s31] =	ssyncadd.s32 $0xFFFFE000  }
0x78: {  	[hbm4b:s2+s6] =	stream.linear.scatter [tilespmem:s0], [sflag:$0xA], $0x2000, $0x38;
	[tilespmem:$0xBC00] =	vst v63  }
0x79: {  	_ =	swait.ge [sflag:s1], $0x2000  }
0x7a: {  	[sflag:s1] =	ssyncset.done $0x0  }
0x7b: {  	s13 =	simm.s32 $0xA;
	[sflag:s1] =	ssyncadd.s32 $0xFFFFE000  }
0x7c: {  	_ =	swait.ge [sflag:s13], $0x2000  }
0x7d: {  	s14 =	simm.s32 $0x0;
	s8 =	simm.s32 $0x400;
	[sflag:s13] =	ssyncset.done $0x0  }
0x7e: {  	s9 =	simm.s32 $0x8000;
	s15 =	rddreg [dreg:$0x9];
	[sflag:s13] =	ssyncadd.s32 $0xFFFFE000  }
0x7f: {  	[tilespmem:s14], [sflag:$0xB] =	stream.strided.gather [hbm4b:s15+s8], $0x1800, s9, s8, $0x38;
	[tilespmem:$0xBC00] =	vst v63  }
0x80: {  	s16 =	simm.s32 $0x1800;
	s17 =	simm.s32 $0xB;
	s3 =	sadd.s32 $0x6000, s15  }
0x81: {  	[tilespmem:s16], [sflag:$0xB] =	stream.linear.gather [hbm4b:s3+s14], $0x100, $0x38;
	[tilespmem:$0xBC00] =	vst v63  }
0x82: {  	_ =	swait.ge [sflag:s17], $0x1900  }
0x83: {  	s20 =	smov.u32 s4;
	s19 =	simm.s32 $0x1C00;
	[sflag:s17] =	ssyncset.done $0x0  }
0x84: {  	s11 =	simm.s32 $0x80;
	p0 =	por $0x1, $0x1;
	[sflag:s17] =	ssyncadd.s32 $0xFFFFE700  }
0x85: {  	[tilespmem:s19], [sflag:$0x1] =	stream.indirect.gather [hbm4b:s4+s21], $0x80, s14, s21, $0xb8;
	[tilespmem:$0xBC00] =	vst v63  }
0x86: {  	s12 =	simm.s32 $0xC0;
	s1 =	simm.s32 $0x40;
	s13 =	simm.s32 $0x3C00  }
0x87: {  	[tilespmem:s13], [sflag:$0x2] =	stream.indirect.gather [hbm4b:s4+s21], $0x80, s21, s21, $0xb8;
	[tilespmem:$0xBC00] =	vst v63  }
0x88: {  	s8 =	sand.u32 $0x40, s14;
	s9 =	simm.s32 @!p0 $0x9;
	s14 =	simm.s32 $0x300  }
0x89: {  	[tilespmem:s18], [sflag:$0x3] =	stream.indirect.gather [hbm4b:s4+s21], $0x80, s11, s21, $0xb8;
	[tilespmem:$0xBC00] =	vst v63  }
0x8a: {  	s2 =	sor.u32 s7, s8;
	s15 =	sand.u32 $0x1FE00, s14;
	_ =	swait.ge @!p0 [sflag:s9], $0x2000  }
0x8b: {  	s3 =	sand.u32 $0x40, s12;
	s10 =	sshrl.u32 s15, $0x2;
	[sflag:s9] =	ssyncset.done @!p0 $0x0  }
0x8c: {  	s12 =	simm.s32 $0x400;
	s16 =	sor.u32 s3, s10;
	[sflag:s9] =	ssyncadd.s32 @!p0 $0xFFFFE000  }
0x8d: {  	[tilespmem:s23], [sflag:$0x4] =	stream.indirect.gather [hbm4b:s4+s21], $0x80, s16, s21, $0xb8;
	[tilespmem:$0xBC00] =	vst v63  }
0x8e: {  	s17 =	simm.s32 $0x0;
	s14 =	simm.s32 $0x8000;
	_ =	swait.ge [sflag:s22], $0x2000  }
0x8f: {  	s10 =	sand.u32 $0x3F80000, s17;
	s9 =	sshll.u32 s2, $0x7;
	[sflag:s22] =	ssyncset.done $0x0  }
0x90: {  	s15 =	sand.u32 $0xFF0000, s14;
	s10 =	sor.u32 s10, s9;
	[sflag:s22] =	ssyncadd.s32 $0xFFFFE000  }
0x91: {  	s14 =	simm.s32 $0x40;
	s10 =	sshrl.u32 s10, $0x3;
	s5 =	rddreg [dreg:$0x5]  }
0x92: {  	s17 =	simm.s32 $0x80000;
	s11 =	simm.s32 @!p0 $0xA;
	s10 =	sadd.s32 s5, s10  }
0x93: {  	[hbm4b:s10+s6] =	stream.linear.scatter [tilespmem:s19], [sflag:$0x6], $0x2000, $0x38;
	[tilespmem:$0xBC00] =	vst v63  }
0x94: {  	s3 =	sor.u32 s7, s3;
	s19 =	sand.u32 $0x1FE00, s12;
	_ =	swait.ge @!p0 [sflag:s11], $0x2000  }
0x95: {  	s16 =	sand.u32 $0x40, s1;
	s10 =	sshrl.u32 s19, $0x2;
	[sflag:s11] =	ssyncset.done @!p0 $0x0  }
0x96: {  	s10 =	sor.u32 s8, s10;
	[sflag:s11] =	ssyncadd.s32 @!p0 $0xFFFFE000;
	s11 =	sor.u32 s7, s16  }
0x97: {  	[tilespmem:s0], [sflag:$0x5] =	stream.indirect.gather [hbm4b:s4+s21], $0x80, s10, s21, $0xb8;
	[tilespmem:$0xBC00] =	vst v63  }
0x98: {  	p0 =	por $0x0, $0x0;
	s10 =	sadd.s32 s5, s15;
	_ =	swait.ge [sflag:s24], $0x2000  }
0x99: {  	s11 =	sshll.u32 s11, $0x4;
	s12 =	simm.s32 @!p0 $0x140;
	[sflag:s24] =	ssyncset.done $0x0  }
0x9a: {  	s10 =	sadd.s32 s11, s10;
	s11 =	simm.s32 @!p0 $0x500;
	[sflag:s24] =	ssyncadd.s32 $0xFFFFE000  }
0x9b: {  	[hbm4b:s10+s6] =	stream.linear.scatter [tilespmem:s13], [sflag:$0x7], $0x2000, $0x38;
	[tilespmem:$0xBC00] =	vst v63  }
0x9c: {  	s12 =	sand.u32 @!p0 $0x40, s12;
	s10 =	sand.u32 @!p0 $0x1FE00, s11;
	_ =	swait.ge [sflag:s25], $0x2000  }
0x9d: {  	s11 =	simm.s32 @!p0 $0x1C00;
	s10 =	sshrl.u32 @!p0 s10, $0x2;
	[sflag:s25] =	ssyncset.done $0x0  }
0x9e: {  	s10 =	sor.u32 @!p0 s12, s10;
	s12 =	simm.s32 @!p0 $0x40;
	[sflag:s25] =	ssyncadd.s32 $0xFFFFE000  }
0x9f: {  	[tilespmem:s11], [sflag:$0x1] =	stream.indirect.gather @!p0 [hbm4b:s4+s12], $0x80, s10, s12, $0xb8;
	[tilespmem:$0xBC00] =	vst v63  }
0xa0: {  	s3 =	sshll.u32 s3, $0x4;
	s2 =	sshll.u32 s2, $0x4;
	s10 =	sand.u32 $0x7F80000, s17  }
0xa1: {  	s19 =	simm.s32 $0x18000;
	s9 =	sor.u32 s10, s9;
	_ =	swait.ge [sflag:s26], $0x2000  }
0xa2: {  	s13 =	simm.s32 $0xC00;
	s9 =	sshrl.u32 s9, $0x3;
	[sflag:s26] =	ssyncset.done $0x0  }
0xa3: {  	s10 =	simm.s32 @!p0 $0x600;
	s9 =	sadd.s32 s5, s9;
	[sflag:s26] =	ssyncadd.s32 $0xFFFFE000  }
0xa4: {  	[hbm4b:s9+s6] =	stream.linear.scatter [tilespmem:s18], [sflag:$0x8], $0x2000, $0x38;
	[tilespmem:$0xBC00] =	vst v63  }
0xa5: {  	s11 =	sand.u32 $0xFF0000, s19;
	s10 =	sand.u32 @!p0 $0x1FE00, s10;
	_ =	swait.ge [sflag:s28], $0x2000  }
0xa6: {  	s11 =	sadd.s32 s5, s11;
	s10 =	sshrl.u32 @!p0 s10, $0x2;
	[sflag:s28] =	ssyncset.done $0x0  }
0xa7: {  	s8 =	sor.u32 @!p0 s8, s10;
	s10 =	simm.s32 @!p0 $0x3C00;
	[sflag:s28] =	ssyncadd.s32 $0xFFFFE000  }
0xa8: {  	[tilespmem:s10], [sflag:$0x2] =	stream.indirect.gather @!p0 [hbm4b:s4+s12], $0x80, s8, s12, $0xb8;
	[tilespmem:$0xBC00] =	vst v63  }
0xa9: {  	s19 =	simm.s32 $0x300;
	s3 =	sadd.s32 s3, s11;
	_ =	swait.ge [sflag:s29], $0x2000  }
0xaa: {  	s11 =	simm.s32 $0x48000;
	s9 =	simm.s32 $0x700;
	[sflag:s29] =	ssyncset.done $0x0  }
0xab: {  	s18 =	simm.s32 $0x20000;
	s9 =	sand.u32 @!p0 $0x1FE00, s9;
	[sflag:s29] =	ssyncadd.s32 $0xFFFFE000  }
0xac: {  	[hbm4b:s3+s6] =	stream.linear.scatter [tilespmem:s23], [sflag:$0x9], $0x2000, $0x38;
	[tilespmem:$0xBC00] =	vst v63  }
0xad: {  	s8 =	simm.s32 $0x1C0;
	s10 =	sand.u32 $0xFF0000, s18;
	_ =	swait.ge [sflag:s30], $0x2000  }
0xae: {  	s8 =	sand.u32 @!p0 $0x40, s8;
	s3 =	sshrl.u32 @!p0 s9, $0x2;
	[sflag:s30] =	ssyncset.done $0x0  }
0xaf: {  	s3 =	sor.u32 @!p0 s8, s3;
	s8 =	simm.s32 @!p0 $0x5C00;
	[sflag:s30] =	ssyncadd.s32 $0xFFFFE000  }
0xb0: {  	[tilespmem:s8], [sflag:$0x3] =	stream.indirect.gather @!p0 [hbm4b:s4+s12], $0x80, s3, s12, $0xb8;
	[tilespmem:$0xBC00] =	vst v63  }
0xb1: {  	s9 =	simm.s32 $0x1C0000;
	s3 =	sadd.s32 s5, s2;
	_ =	swait.ge [sflag:s31], $0x2000  }
.LBB2_4:
0xb2: {  	s8 =	sand.u32 $0xFF0000, s11;
	[sflag:s31] =	ssyncset.done $0x0;
	s2 =	smov.u32 s13  }
0xb3: {  	s13 =	sadd.s32 $0x500, s13;
	s12 =	sand.u32 $0x7F80000, s9;
	s3 =	sadd.s32 s10, s3  }
0xb4: {  	s1 =	simm.s32 $0x9C00;
	s10 =	sand.u32 $0x40, s14;
	[sflag:s31] =	ssyncadd.s32 $0xFFFFE000  }
0xb5: {  	[hbm4b:s3+s6] =	stream.linear.scatter [tilespmem:s1], [sflag:$0xA], $0x2000, $0x38;
	[tilespmem:$0xBC00] =	vst v63  }
0xb6: {  	s0 =	simm.s32 $0x1C00;
	p0 =	seq.s32 s2, $0x700;
	s3 =	sadd.s32 $0xFFFFFF00, s19  }
0xb7: {  	s15 =	sadd.s32 $0xFFFFFC00, s2;
	s16 =	simm.s32 @!p0 $0x9;
	s3 =	sand.u32 $0x40, s3  }
0xb8: {  	s17 =	sand.u32 $0x1FE00, s15;
	s15 =	sor.u32 s7, s10;
	_ =	swait.ge @!p0 [sflag:s16], $0x2000  }
0xb9: {  	s17 =	sshrl.u32 s17, $0x2;
	s18 =	sshll.u32 s15, $0x7;
	[sflag:s16] =	ssyncset.done @!p0 $0x0  }
0xba: {  	[sflag:s16] =	ssyncadd.s32 @!p0 $0xFFFFE000;
	s16 =	sor.u32 s3, s17;
	s17 =	sadd.s32 $0xFFF80000, s9  }
0xbb: {  	[tilespmem:s23], [sflag:$0x4] =	stream.indirect.gather [hbm4b:s20+s21], $0x80, s16, s21, $0xb8;
	[tilespmem:$0xBC00] =	vst v63  }
0xbc: {  	s12 =	sor.u32 s12, s18;
	s16 =	sand.u32 $0x3F80000, s17;
	_ =	swait.ge [sflag:s22], $0x2000  }
0xbd: {  	s12 =	sshrl.u32 s12, $0x3;
	s16 =	sor.u32 s16, s18;
	[sflag:s22] =	ssyncset.done $0x0  }
0xbe: {  	s17 =	sadd.s32 $0xFFFFFE80, s19;
	s16 =	sshrl.u32 s16, $0x3;
	[sflag:s22] =	ssyncadd.s32 $0xFFFFE000  }
0xbf: {  	s20 =	sadd.s32 $0xFFFFFD00, s2;
	s18 =	simm.s32 @!p0 $0xA;
	s16 =	sadd.s32 s5, s16  }
0xc0: {  	[hbm4b:s16+s6] =	stream.linear.scatter [tilespmem:s0], [sflag:$0x6], $0x2000, $0x38;
	[tilespmem:$0xBC00] =	vst v63  }
0xc1: {  	s17 =	sand.u32 $0x40, s17;
	s16 =	sand.u32 $0x1FE00, s20  }
0xc2: {  	s20 =	sadd.s32 $0xFFFE8000, s11;
	s0 =	simm.s32 $0x9C00;
	_ =	swait.ge @!p0 [sflag:s18], $0x2000  }
0xc3: {  	s16 =	sshrl.u32 s16, $0x2;
	s20 =	sand.u32 $0xFF0000, s20;
	[sflag:s18] =	ssyncset.done @!p0 $0x0  }
0xc4: {  	s16 =	sor.u32 s10, s16;
	[sflag:s18] =	ssyncadd.s32 @!p0 $0xFFFFE000;
	p0 =	seq.s32 s2, $0x6600  }
0xc5: {  	[tilespmem:s1], [sflag:$0x5] =	stream.indirect.gather [hbm4b:s4+s21], $0x80, s16, s21, $0xb8;
	[tilespmem:$0xBC00] =	vst v63  }
0xc6: {  	s16 =	sor.u32 s7, s17;
	s17 =	sadd.s32 s5, s20;
	_ =	swait.ge [sflag:s24], $0x2000  }
0xc7: {  	s18 =	sadd.s32 @!p0 $0xFFFFFF80, s19;
	s16 =	sshll.u32 s16, $0x4;
	[sflag:s24] =	ssyncset.done $0x0  }
0xc8: {  	s16 =	sadd.s32 s16, s17;
	s17 =	sadd.s32 @!p0 $0xFFFFFE00, s2;
	[sflag:s24] =	ssyncadd.s32 $0xFFFFE000  }
0xc9: {  	s20 =	simm.s32 @!p0 $0x1C00;
	s1 =	simm.s32 $0x3C00;
	s17 =	sand.u32 @!p0 $0x1FE00, s17  }
0xca: {  	[hbm4b:s16+s6] =	stream.linear.scatter [tilespmem:s1], [sflag:$0x7], $0x2000, $0x38;
	[tilespmem:$0xBC00] =	vst v63  }
0xcb: {  	s17 =	sshrl.u32 @!p0 s17, $0x2;
	s16 =	sand.u32 @!p0 $0x40, s18;
	_ =	swait.ge [sflag:s25], $0x2000  }
0xcc: {  	s16 =	sor.u32 @!p0 s16, s17;
	s17 =	simm.s32 @!p0 $0x40;
	[sflag:s25] =	ssyncset.done $0x0  }
0xcd: {  	s18 =	sadd.s32 @!p0 $0xFFFFFF00, s2;
	s2 =	sand.u32 @!p0 $0x1FE00, s2;
	[sflag:s25] =	ssyncadd.s32 $0xFFFFE000  }
0xce: {  	[tilespmem:s20], [sflag:$0x1] =	stream.indirect.gather @!p0 [hbm4b:s4+s17], $0x80, s16, s17, $0xb8;
	[tilespmem:$0xBC00] =	vst v63  }
0xcf: {  	s2 =	sshrl.u32 @!p0 s2, $0x2;
	s20 =	smov.u32 s4  }
0xd0: {  	s16 =	sand.u32 @!p0 $0x1FE00, s18;
	s18 =	simm.s32 $0x5C00;
	_ =	swait.ge [sflag:s26], $0x2000  }
0xd1: {  	s12 =	sadd.s32 s5, s12;
	s16 =	sshrl.u32 @!p0 s16, $0x2;
	[sflag:s26] =	ssyncset.done $0x0  }
0xd2: {  	s3 =	sor.u32 s7, s3;
	s10 =	sor.u32 @!p0 s10, s16;
	[sflag:s26] =	ssyncadd.s32 $0xFFFFE000  }
0xd3: {  	[hbm4b:s12+s6] =	stream.linear.scatter [tilespmem:s18], [sflag:$0x8], $0x2000, $0x38;
	[tilespmem:$0xBC00] =	vst v63  }
0xd4: {  	s12 =	sshll.u32 s3, $0x4;
	s3 =	sshll.u32 s15, $0x4;
	_ =	swait.ge [sflag:s28], $0x2000  }
0xd5: {  	s15 =	simm.s32 @!p0 $0x3C00;
	s3 =	sadd.s32 s5, s3;
	[sflag:s28] =	ssyncset.done $0x0  }
0xd6: {  	p1 =	sne.s32 s13, $0x6B00;
	s16 =	sadd.s32 $0xFFFF8000, s11;
	[sflag:s28] =	ssyncadd.s32 $0xFFFFE000  }
0xd7: {  	[tilespmem:s15], [sflag:$0x2] =	stream.indirect.gather @!p0 [hbm4b:s4+s17], $0x80, s10, s17, $0xb8;
	[tilespmem:$0xBC00] =	vst v63  }
0xd8: {  	s15 =	sand.u32 $0xFF0000, s16;
	s10 =	smov.u32 s8;
	_ =	swait.ge [sflag:s29], $0x2000  }
0xd9: {  	s8 =	sadd.s32 s5, s15;
	[sflag:s29] =	ssyncset.done $0x0  }
0xda: {  	s8 =	sadd.s32 s12, s8;
	[sflag:s29] =	ssyncadd.s32 $0xFFFFE000  }
0xdb: {  	[hbm4b:s8+s6] =	stream.linear.scatter [tilespmem:s23], [sflag:$0x9], $0x2000, $0x38;
	[tilespmem:$0xBC00] =	vst v63  }
.Ltmp1:
0xdc: {  	s8 =	sand.u32 @!p0 $0x40, s19;
	_ =	swait.ge [sflag:s30], $0x2000;
	(pc) =	sbr.rel @p1 .LBB2_4-.Ltmp1, $4  }
0xdd: {  	s2 =	sor.u32 @!p0 s8, s2;
	s8 =	simm.s32 @!p0 $0x5C00;
	[sflag:s30] =	ssyncset.done $0x0  }
0xde: {  	s14 =	sadd.s32 $0x40, s14;
	s9 =	sadd.s32 $0x140000, s9;
	[sflag:s30] =	ssyncadd.s32 $0xFFFFE000  }
0xdf: {  	[tilespmem:s8], [sflag:$0x3] =	stream.indirect.gather @!p0 [hbm4b:s4+s17], $0x80, s2, s17, $0xb8;
	[tilespmem:$0xBC00] =	vst v63  }
0xe0: {  	s11 =	sadd.s32 $0x28000, s11;
	s19 =	sadd.s32 $0x140, s19;
	_ =	swait.ge [sflag:s31], $0x2000  }
0xe1: {  	[sflag:s31] =	ssyncset.done $0x0  }
0xe2: {  	s2 =	sadd.s32 s10, s3;
	s1 =	simm.s32 $0x9;
	[sflag:s31] =	ssyncadd.s32 $0xFFFFE000  }
0xe3: {  	[hbm4b:s2+s6] =	stream.linear.scatter [tilespmem:s0], [sflag:$0xA], $0x2000, $0x38;
	[tilespmem:$0xBC00] =	vst v63  }
0xe4: {  	_ =	swait.ge [sflag:s1], $0x2000  }
0xe5: {  	[sflag:s1] =	ssyncset.done $0x0  }
0xe6: {  	s17 =	simm.s32 $0xA;
	[sflag:s1] =	ssyncadd.s32 $0xFFFFE000  }
0xe7: {  	_ =	swait.ge [sflag:s17], $0x2000  }
0xe8: {  	s19 =	rddreg [dreg:$0xb]  }
0xe9: {  	s21 =	rddreg [dreg:$0xa];
	s3 =	sadd.s32 $0x1, s19  }
0xea: {  	p0 =	sne.s32 s3, s21  }
.Ltmp2:
0xeb: {  	_ = 	snop;
	(pc) =	sbr.rel @p0 .LBB2_1-.Ltmp2, $4  }
0xec: {  	[sflag:s17] =	ssyncset.done $0x0  }
0xed: {  	[sflag:s17] =	ssyncadd.s32 $0xFFFFE000  }
0xee: {  	s13 =	simm.s32 $0x40;
	s14 =	simm.s32 $0x1C00;
	s1 =	rddreg [dreg:$0x0]  }
0xef: {  	s15 =	simm.s32 $0x3C00;
	s16 =	simm.s32 $0x7C00;
	s5 =	rddreg [dreg:$0x4]  }
0xf0: {  	_ =	sfence.sel $0x180000  }
0xf1: {  	[bflag:$0x0] =	sbarrier.arrive $0xFFFF  }
0xf2: {  	_ =	strace $0x90000047  }
0xf3: {  	s0 =	stileid.u32;
	[bflag:$0x2] =	sbarrier.arrive $0xFFFF  }
0xf4: {  	p0 =	sne.s32 s0, $0x0;
	s0 =	rddreg [dreg:$0x6]  }
0xf5: {  	s0 =	sadd.s32 @!p0 $0x100000, s0  }
0xf6: {  	[sflag:s0] =	ssyncadd.tile.s32 @!p0 $0x1;
	_ =	shalt  }
.Lfunc_end2:
_tile_overlayer_lowered:
.L_overlay_start_2:
0xf7: {  	(tag) =	ssettag $0x2  }
0xf8: {  	s0 =	rddreg [dreg:$0x0];
	s2 =	stileid.u32  }
0xf9: {  	s1 =	rddreg [dreg:$0x1];
	p0 =	sne.s32 s2, $0x0  }
0xfa: {  	s3 =	rddreg [dreg:$0x2];
	[bflag:$0x3] =	sbarrier.arrive $0xFFFF;
	s2 =	simm.s32 @!p0 $0x1C0B  }
0xfb: {  	[timem:s3], [sflag:s2] =	dma.local @!p0 [hbm:s0], s1  }
0xfc: {  	s0 =	simm.s32 @!p0 $0xB  }
0xfd: {  	_ =	swait.ge @!p0 [sflag:s0], s1  }
0xfe: {  	s1 =	ssub.s32 @!p0 $0x0, s1;
	[sflag:s0] =	ssyncset.done @!p0 $0x0  }
0xff: {  	[sflag:s0] =	ssyncadd.s32 @!p0 s1  }
0x100: {  	[bflag:$0x3] =	sbarrier.arrive $0xFFFF  }
0x101: {  	_ =	shalt  }

</sc_bundles>
